<compile_context>
chip_gen: v7x
topology: tpu7x:2x2x1
jax: 0.10.2.dev20260603
libtpu: 0.0.44.dev20260713+nightly
codegen_flags: <defaults>
</compile_context>

<pallas_src>
import functools

import jax
import jax.numpy as jnp
from jax import lax
from jax.experimental import pallas as pl
from jax.experimental.pallas import tpu as pltpu
from jax.experimental.pallas import tpu_sc as plsc

N = 10000
E = 160000
D_IN = 128
D_HID = 256
D_LAT = 64

NC, NS = 2, 16
NW = NC * NS
CHUNK = 128
EPW = 5120
E_PAD = NW * EPW
EPC = EPW // CHUNK
N_PAD = 10240
RPT = N_PAD // NS

BM = 1024
GM = 10
DEGW = 128
NBUF = 2
TOTC = E_PAD // CHUNK
CPW0 = 65
CPW1 = 15


def _mesh():
    return plsc.VectorSubcoreMesh(core_axis_name="c", subcore_axis_name="s")



def _deg_body(dst_hbm, zeros_hbm, ones_hbm, out_hbm, idx_v, ones_v, accum):
    c = lax.axis_index("c")
    s = lax.axis_index("s")
    wid = c * NS + s
    pltpu.sync_copy(zeros_hbm, accum.at[pl.ds(s * RPT, RPT)])
    pltpu.sync_copy(ones_hbm, ones_v)
    pltpu.sync_copy(dst_hbm.at[pl.ds(wid * EPC, EPC)], idx_v)
    plsc.subcore_barrier()

    def step(i, carry):
        pltpu.sync_copy(ones_v, accum.at[idx_v.at[i]], add=True)
        return carry

    lax.fori_loop(0, EPC, step, 0)
    plsc.subcore_barrier()
    pltpu.sync_copy(accum.at[pl.ds(s * RPT, RPT)],
                    out_hbm.at[c, pl.ds(s * RPT, RPT)])


def _sc_degree(dst3, zeros_col, ones_col):
    kfn = pl.kernel(
        _deg_body,
        out_type=jax.ShapeDtypeStruct((NC, N_PAD, DEGW), jnp.float32),
        mesh=_mesh(),
        scratch_types=[
            pltpu.VMEM((EPC, CHUNK), jnp.int32),
            pltpu.VMEM((CHUNK, DEGW), jnp.float32),
            pltpu.VMEM_SHARED((N_PAD, DEGW), jnp.float32),
        ],
    )
    return kfn(dst3, zeros_col, ones_col)



def _prop_body(v_hbm, src_hbm, dst_hbm, zeros_hbm, out_hbm,
               sidx, didx, rows2, accum, gsem, isem):
    c = lax.axis_index("c")
    s = lax.axis_index("s")

    start = jnp.where(c == 0, s * CPW0, NS * CPW0 + s * CPW1)
    cnt = jnp.where(c == 0, CPW0, CPW1)

    pltpu.sync_copy(zeros_hbm, accum.at[pl.ds(s * RPT, RPT)])
    plsc.subcore_barrier()

    def fire_idx(i):
        slot = lax.rem(i, NBUF)
        pltpu.async_copy(src_hbm.at[start + i], sidx.at[slot],
                         isem.at[slot, 0])
        pltpu.async_copy(dst_hbm.at[start + i], didx.at[slot],
                         isem.at[slot, 1])

    def fire_gather(i):
        slot = lax.rem(i, NBUF)
        pltpu.make_async_copy(src_hbm.at[start + i], sidx.at[slot],
                              isem.at[slot, 0]).wait()
        pltpu.async_copy(v_hbm.at[sidx.at[slot]], rows2.at[slot],
                         gsem.at[slot])

    for j in range(NBUF - 1):
        @pl.when(j < cnt)
        def _():
            fire_idx(j)
    for j in range(NBUF - 2):
        @pl.when(j < cnt)
        def _():
            fire_gather(j)

    def step(i, carry):
        cur = lax.rem(i, NBUF)
        a2 = i + NBUF - 1
        a1 = i + NBUF - 2

        @pl.when(a2 < cnt)
        def _():
            fire_idx(a2)

        @pl.when(a1 < cnt)
        def _():
            fire_gather(a1)

        pltpu.make_async_copy(v_hbm.at[sidx.at[cur]], rows2.at[cur],
                              gsem.at[cur]).wait()
        pltpu.make_async_copy(dst_hbm.at[start], didx.at[cur],
                              isem.at[cur, 1]).wait()
        pltpu.sync_copy(rows2.at[cur], accum.at[didx.at[cur]], add=True)
        return carry

    lax.fori_loop(0, cnt, step, 0)
    plsc.subcore_barrier()
    pltpu.sync_copy(accum.at[pl.ds(s * RPT, RPT)],
                    out_hbm.at[c, pl.ds(s * RPT, RPT)])


def _sc_prop(v, src3, dst3, zeros_rows):
    kfn = pl.kernel(
        _prop_body,
        out_type=jax.ShapeDtypeStruct((NC, N_PAD, D_IN), jnp.float32),
        mesh=_mesh(),
        scratch_types=[
            pltpu.VMEM((NBUF, CHUNK), jnp.int32),
            pltpu.VMEM((NBUF, CHUNK), jnp.int32),
            pltpu.VMEM((NBUF, CHUNK, D_IN), jnp.float32),
            pltpu.VMEM_SHARED((N_PAD, D_IN), jnp.float32),
            pltpu.SemaphoreType.DMA((NBUF,)),
            pltpu.SemaphoreType.DMA((NBUF, 2)),
        ],
    )
    return kfn(v, src3, dst3, zeros_rows)



def _prep_tc(degp, x):
    def body(degp_ref, x_ref, dinv_ref, vs1_ref):
        dp = degp_ref[...]
        deg = dp[0, :, 0:1] + dp[1, :, 0:1] + 1.0
        dinv = lax.rsqrt(deg)
        dinv_ref[...] = dinv
        vs1_ref[...] = x_ref[...] * dinv

    return pl.pallas_call(
        body,
        grid=(GM,),
        out_shape=(jax.ShapeDtypeStruct((N, 1), jnp.float32),
                   jax.ShapeDtypeStruct((N, D_IN), jnp.float32)),
        in_specs=[pl.BlockSpec((NC, BM, DEGW), lambda i: (0, i, 0)),
                  pl.BlockSpec((BM, D_IN), lambda i: (i, 0))],
        out_specs=(pl.BlockSpec((BM, 1), lambda i: (i, 0)),
                   pl.BlockSpec((BM, D_IN), lambda i: (i, 0))),
    )(degp, x)



def _encode_tc(p1, vs1, dinv, W1, b1r, Wcat):
    def body(p_ref, vs1_ref, dinv_ref, W1_ref, b1_ref, Wc_ref, out_ref):
        t = dinv_ref[...] * (p_ref[0] + p_ref[1] + vs1_ref[...])
        h = jnp.dot(t, W1_ref[...], preferred_element_type=jnp.float32)
        h = jnp.maximum(h + b1_ref[...], 0.0)
        hm = jnp.dot(h, Wc_ref[...], preferred_element_type=jnp.float32)
        out_ref[...] = dinv_ref[...] * hm

    return pl.pallas_call(
        body,
        grid=(GM,),
        out_shape=jax.ShapeDtypeStruct((N, D_IN), jnp.float32),
        in_specs=[pl.BlockSpec((NC, BM, D_IN), lambda i: (0, i, 0)),
                  pl.BlockSpec((BM, D_IN), lambda i: (i, 0)),
                  pl.BlockSpec((BM, 1), lambda i: (i, 0)),
                  pl.BlockSpec((D_IN, D_HID), lambda i: (0, 0)),
                  pl.BlockSpec((1, D_HID), lambda i: (0, 0)),
                  pl.BlockSpec((D_HID, D_IN), lambda i: (0, 0))],
        out_specs=pl.BlockSpec((BM, D_IN), lambda i: (i, 0)),
    )(p1, vs1, dinv, W1, b1r, Wcat)



def _latent_tc(p2, vs2, dinv, bmur, blsr, eps, Wdec, bdecr, mask):
    def body(p_ref, vs2_ref, dinv_ref, bmu_ref, bls_ref, eps_ref,
             Wd_ref, bd_ref, mk_ref, mu_ref, ls_ref, z_ref, xr_ref):
        agg = dinv_ref[...] * (p_ref[0] + p_ref[1] + vs2_ref[...])
        mu = agg[:, :D_LAT] + bmu_ref[...]
        ls = agg[:, D_LAT:] + bls_ref[...]
        z = mu + eps_ref[...] * jnp.exp(ls)
        mu_ref[...] = mu
        ls_ref[...] = ls
        z_ref[...] = z
        xr_ref[...] = (jnp.dot(z, Wd_ref[...] * mk_ref[...],
                               preferred_element_type=jnp.float32)
                       + bd_ref[...])

    return pl.pallas_call(
        body,
        grid=(GM,),
        out_shape=(jax.ShapeDtypeStruct((N, D_LAT), jnp.float32),
                   jax.ShapeDtypeStruct((N, D_LAT), jnp.float32),
                   jax.ShapeDtypeStruct((N, D_LAT), jnp.float32),
                   jax.ShapeDtypeStruct((N, D_IN), jnp.float32)),
        in_specs=[pl.BlockSpec((NC, BM, D_IN), lambda i: (0, i, 0)),
                  pl.BlockSpec((BM, D_IN), lambda i: (i, 0)),
                  pl.BlockSpec((BM, 1), lambda i: (i, 0)),
                  pl.BlockSpec((1, D_LAT), lambda i: (0, 0)),
                  pl.BlockSpec((1, D_LAT), lambda i: (0, 0)),
                  pl.BlockSpec((BM, D_LAT), lambda i: (i, 0)),
                  pl.BlockSpec((D_LAT, D_IN), lambda i: (0, 0)),
                  pl.BlockSpec((1, D_IN), lambda i: (0, 0)),
                  pl.BlockSpec((D_LAT, D_IN), lambda i: (0, 0))],
        out_specs=(pl.BlockSpec((BM, D_LAT), lambda i: (i, 0)),
                   pl.BlockSpec((BM, D_LAT), lambda i: (i, 0)),
                   pl.BlockSpec((BM, D_LAT), lambda i: (i, 0)),
                   pl.BlockSpec((BM, D_IN), lambda i: (i, 0))),
    )(p2, vs2, dinv, bmur, blsr, eps, Wdec, bdecr, mask)



def _adj_tc(z):
    def body(zr_ref, zc_ref, out_ref):
        out_ref[...] = lax.dot_general(
            zr_ref[...], zc_ref[...],
            (((1,), (1,)), ((), ())),
            preferred_element_type=jnp.float32)

    return pl.pallas_call(
        body,
        grid=(GM, GM),
        out_shape=jax.ShapeDtypeStruct((N, N), jnp.float32),
        in_specs=[pl.BlockSpec((BM, D_LAT), lambda i, j: (i, 0)),
                  pl.BlockSpec((BM, D_LAT), lambda i, j: (j, 0))],
        out_specs=pl.BlockSpec((BM, BM), lambda i, j: (i, j)),
    )(z, z)



def kernel(x, edge_index, eps, W1, b1, Wmu, bmu, Wls, bls, Wdec, bdec, mask):
    ei = edge_index.astype(jnp.int32)
    pad = E_PAD - E
    src = jnp.concatenate([ei[0], jnp.zeros((pad,), jnp.int32)])
    dst = jnp.concatenate(
        [ei[1], N + (jnp.arange(pad, dtype=jnp.int32) % (N_PAD - N))])
    src3 = src.reshape(TOTC, CHUNK)
    dst3 = dst.reshape(TOTC, CHUNK)
    zeros_col = jnp.zeros((RPT, DEGW), jnp.float32)
    ones_col = jnp.ones((CHUNK, DEGW), jnp.float32)
    zeros_rows = jnp.zeros((RPT, D_IN), jnp.float32)

    degp = _sc_degree(dst3, zeros_col, ones_col)
    dinv, vs1 = _prep_tc(degp, x)
    p1 = _sc_prop(vs1, src3, dst3, zeros_rows)
    vs2 = _encode_tc(p1, vs1, dinv, W1, b1.reshape(1, -1),
                     jnp.concatenate([Wmu, Wls], axis=1))
    p2 = _sc_prop(vs2, src3, dst3, zeros_rows)
    mu, logstd, z, x_recon = _latent_tc(
        p2, vs2, dinv, bmu.reshape(1, -1), bls.reshape(1, -1), eps,
        Wdec, bdec.reshape(1, -1), mask)
    adj = _adj_tc(z)
    return (adj, x_recon, mu, logstd)

# --- scband reference (transcript-rebuilt; emitter-appended) ---
"""Pipeline reference for scband-ivgae-59571196396172 (READ-ONLY COPY).

The authoritative reference and input builder live on the scoring server;
editing this copy changes nothing except your own understanding.
"""

import jax, jax.numpy as jnp
import numpy as np

N = 10000
E = 160000
D_IN = 128
D_HID = 256
D_LAT = 64


def setup_inputs(seed: int = 0) -> dict:
    key = jax.random.key(seed)
    ks = jax.random.split(key, 12)
    x = jax.random.normal(ks[0], (N, D_IN), dtype=jnp.float32)
    edge_index = jax.random.randint(ks[1], (2, E), 0, N, dtype=jnp.int64)
    # reparameterization noise (fixed for determinism)
    eps = jax.random.normal(ks[2], (N, D_LAT), dtype=jnp.float32)
    # GCNEncoder params: shared first layer, then mu / logstd heads
    W1 = jax.random.normal(ks[3], (D_IN, D_HID), dtype=jnp.float32) * 0.05
    b1 = jnp.zeros((D_HID,), dtype=jnp.float32)
    Wmu = jax.random.normal(ks[4], (D_HID, D_LAT), dtype=jnp.float32) * 0.05
    bmu = jnp.zeros((D_LAT,), dtype=jnp.float32)
    Wls = jax.random.normal(ks[5], (D_HID, D_LAT), dtype=jnp.float32) * 0.05
    bls = jnp.zeros((D_LAT,), dtype=jnp.float32)
    # MaskedLinearExprDecoder params + fixed binary mask (interpretability mask)
    Wdec = jax.random.normal(ks[6], (D_LAT, D_IN), dtype=jnp.float32) * 0.05
    bdec = jnp.zeros((D_IN,), dtype=jnp.float32)
    mask = (jax.random.uniform(ks[7], (D_LAT, D_IN)) < 0.3).astype(jnp.float32)
    return {"x": x, "edge_index": edge_index, "eps": eps,
            "W1": W1, "b1": b1, "Wmu": Wmu, "bmu": bmu,
            "Wls": Wls, "bls": bls, "Wdec": Wdec, "bdec": bdec,
            "mask": mask}


def _gcn_norm(edge_index, n):
    loops = jnp.arange(n, dtype=edge_index.dtype)
    src = jnp.concatenate([edge_index[0], loops])
    dst = jnp.concatenate([edge_index[1], loops])
    deg = jnp.zeros((n,), dtype=jnp.float32).at[dst].add(1.0)
    dinv = jnp.where(deg > 0, 1.0 / jnp.sqrt(deg), 0.0)
    norm = dinv[src] * dinv[dst]
    return src, dst, norm


def _gcn_conv(x, src, dst, norm, W, b):
    h = x @ W
    msg = jnp.take(h, src, axis=0) * norm[:, None]
    out = jnp.zeros((x.shape[0], W.shape[1]), dtype=x.dtype).at[dst].add(msg)
    return out + b


def reference(x, edge_index, eps, W1, b1, Wmu, bmu, Wls, bls, Wdec, bdec, mask):
    n = x.shape[0]
    src, dst, norm = _gcn_norm(edge_index, n)
    # GCNEncoder
    hidden = jax.nn.relu(_gcn_conv(x, src, dst, norm, W1, b1))
    mu = _gcn_conv(hidden, src, dst, norm, Wmu, bmu)
    logstd = _gcn_conv(hidden, src, dst, norm, Wls, bls)
    # reparameterize
    z = mu + eps * jnp.exp(logstd)
    # DotProductGraphDecoder (dropout_rate=0.0)
    adj_recon_logits = z @ z.T
    # MaskedLinearExprDecoder (mse recon -> plain masked linear)
    x_recon = z @ (Wdec * mask) + bdec
    return (adj_recon_logits, x_recon, mu, logstd)

if __name__ == "__main__":
    import jax
    _d = setup_inputs()
    print(jax.jit(kernel)(*tuple(_d.values())))

</pallas_src>

<mosaic_0001>
#map = affine_map<(d0, d1) -> (0, 0)>
#map1 = affine_map<(d0, d1) -> (0, 0, 0)>
module attributes {stable_mosaic.version = 14 : i64} {
  func.func @_deg_body(%arg0: i32, %arg1: i32, %arg2: memref<1280x128xi32, #tpu.memory_space<hbm>>, %arg3: memref<640x128xf32, #tpu.memory_space<hbm>>, %arg4: memref<128x128xf32, #tpu.memory_space<hbm>>, %arg5: memref<2x10240x128xf32, #tpu.memory_space<hbm>>, %arg6: memref<40x128xi32, #tpu.memory_space<vmem>>, %arg7: memref<128x128xf32, #tpu.memory_space<vmem>>, %arg8: memref<10240x128xf32, #tpu.memory_space<vmem_shared>>) attributes {dimension_semantics = [#tpu.dimension_semantics<core_parallel>, #tpu.dimension_semantics<subcore_parallel>], iteration_bounds = array<i64: 2, 16>, scalar_prefetch = 0 : i64, scratch_operands = 3 : i64, tpu.core_type = #tpu.core_type<sc_vector_subcore>, window_params = [{transform_indices = #map}, {transform_indices = #map}, {transform_indices = #map}, {transform_indices = #map1}]} {
    %mul3A = arith.constant 16 : i32
    %mul3A_0 = arith.muli %arg0, %mul3A : i32
    %add3A = arith.addi %mul3A_0, %arg1 : i32
    %mul3A_1 = arith.constant 640 : i32
    %mul3A_2 = arith.muli %arg1, %mul3A_1 : i32
    "tpu.region"() ({
      %run_scoped3A = tpu.sem_alloc : memref<!tpu.dma_semaphore, #tpu.memory_space<semaphore_mem>>
      %dma_start3A = arith.constant 0 : i32
      %dma_start3A_15 = tpu.memref_slice %arg8[%mul3A_2, %dma_start3A] : memref<10240x128xf32, #tpu.memory_space<vmem_shared>> -> memref<640x128xf32, #tpu.memory_space<vmem_shared>>
      tpu.enqueue_dma source(%arg3 : memref<640x128xf32, #tpu.memory_space<hbm>>) target(%dma_start3A_15 : memref<640x128xf32, #tpu.memory_space<vmem_shared>>) target_semaphore(%run_scoped3A : memref<!tpu.dma_semaphore, #tpu.memory_space<semaphore_mem>>)
      %dma_wait3A = arith.constant 0 : i32
      %dma_wait3A_16 = tpu.memref_slice %arg8[%mul3A_2, %dma_wait3A] : memref<10240x128xf32, #tpu.memory_space<vmem_shared>> -> memref<640x128xf32, #tpu.memory_space<vmem_shared>>
      tpu.wait_dma2 semaphore(%run_scoped3A : memref<!tpu.dma_semaphore, #tpu.memory_space<semaphore_mem>>) src(%arg3 : memref<640x128xf32, #tpu.memory_space<hbm>>) dst(%dma_wait3A_16 : memref<640x128xf32, #tpu.memory_space<vmem_shared>>)
      tpu.yield
    }) : () -> ()
    "tpu.region"() ({
      %run_scoped3A = tpu.sem_alloc : memref<!tpu.dma_semaphore, #tpu.memory_space<semaphore_mem>>
      tpu.enqueue_dma source(%arg4 : memref<128x128xf32, #tpu.memory_space<hbm>>) target(%arg7 : memref<128x128xf32, #tpu.memory_space<vmem>>) target_semaphore(%run_scoped3A : memref<!tpu.dma_semaphore, #tpu.memory_space<semaphore_mem>>)
      tpu.wait_dma2 semaphore(%run_scoped3A : memref<!tpu.dma_semaphore, #tpu.memory_space<semaphore_mem>>) src(%arg4 : memref<128x128xf32, #tpu.memory_space<hbm>>) dst(%arg7 : memref<128x128xf32, #tpu.memory_space<vmem>>)
      tpu.yield
    }) : () -> ()
    %mul3A_3 = arith.constant 40 : i32
    %mul3A_4 = arith.muli %add3A, %mul3A_3 : i32
    "tpu.region"() ({
      %run_scoped3A = tpu.sem_alloc : memref<!tpu.dma_semaphore, #tpu.memory_space<semaphore_mem>>
      %dma_start3A = arith.constant 0 : i32
      %dma_start3A_15 = tpu.memref_slice %arg2[%mul3A_4, %dma_start3A] : memref<1280x128xi32, #tpu.memory_space<hbm>> -> memref<40x128xi32, #tpu.memory_space<hbm>>
      %dma_start3A_16 = arith.constant 0 : i32
      %dma_start3A_17 = tpu.memref_slice %arg2[%mul3A_4, %dma_start3A_16] : memref<1280x128xi32, #tpu.memory_space<hbm>> -> memref<40x128xi32, #tpu.memory_space<hbm>>
      tpu.enqueue_dma source(%dma_start3A_17 : memref<40x128xi32, #tpu.memory_space<hbm>>) target(%arg6 : memref<40x128xi32, #tpu.memory_space<vmem>>) target_semaphore(%run_scoped3A : memref<!tpu.dma_semaphore, #tpu.memory_space<semaphore_mem>>)
      %dma_wait3A = arith.constant 0 : i32
      %dma_wait3A_18 = tpu.memref_slice %arg2[%mul3A_4, %dma_wait3A] : memref<1280x128xi32, #tpu.memory_space<hbm>> -> memref<40x128xi32, #tpu.memory_space<hbm>>
      %dma_wait3A_19 = arith.constant 0 : i32
      %dma_wait3A_20 = tpu.memref_slice %arg2[%mul3A_4, %dma_wait3A_19] : memref<1280x128xi32, #tpu.memory_space<hbm>> -> memref<40x128xi32, #tpu.memory_space<hbm>>
      tpu.wait_dma2 semaphore(%run_scoped3A : memref<!tpu.dma_semaphore, #tpu.memory_space<semaphore_mem>>) src(%dma_wait3A_20 : memref<40x128xi32, #tpu.memory_space<hbm>>) dst(%arg6 : memref<40x128xi32, #tpu.memory_space<vmem>>)
      tpu.yield
    }) : () -> ()
    %barrier3A = arith.constant 0 : index
    tpu.barrier barrier_id(%barrier3A)
    %scan3A = arith.constant 0 : i32
    %scan3A_5 = arith.constant 0 : i32
    %scan3A_6 = arith.constant 40 : i32
    %scan3A_7 = arith.addi %scan3A_5, %scan3A_6 : i32
    %scan3A_8 = arith.constant 1 : i32
    scf.for %scan3A_15 = %scan3A_5 to %scan3A_7 step %scan3A_8  : i32 {
      "tpu.region"() ({
        %run_scoped3A = tpu.sem_alloc : memref<!tpu.dma_semaphore, #tpu.memory_space<semaphore_mem>>
        %dma_start3A = arith.constant 0 : i32
        %dma_start3A_16 = tpu.memref_slice %arg6[%scan3A_15, %dma_start3A] : memref<40x128xi32, #tpu.memory_space<vmem>> -> memref<1x128xi32, #tpu.memory_space<vmem>>
        %dma_start3A_17 = tpu.memref_squeeze %dma_start3A_16 : memref<1x128xi32, #tpu.memory_space<vmem>> -> memref<128xi32, #tpu.memory_space<vmem>>
        %dma_start3A_18 = arith.constant 0 : i32
        %dma_start3A_19 = arith.constant 0 : i32
        %dma_start3A_20 = tpu.memref_slice %arg8[%dma_start3A_18, %dma_start3A_19] : memref<10240x128xf32, #tpu.memory_space<vmem_shared>> -> memref<10240x128xf32, #tpu.memory_space<vmem_shared>>
        tpu.enqueue_indirect_dma source(%arg7 : memref<128x128xf32, #tpu.memory_space<vmem>>) target(%dma_start3A_20 : memref<10240x128xf32, #tpu.memory_space<vmem_shared>>) offsets(%dma_start3A_17 : memref<128xi32, #tpu.memory_space<vmem>>) semaphore(%run_scoped3A : memref<!tpu.dma_semaphore, #tpu.memory_space<semaphore_mem>>) {add = true}
        %dma_wait3A = arith.constant 0 : i32
        %dma_wait3A_21 = tpu.memref_slice %arg6[%scan3A_15, %dma_wait3A] : memref<40x128xi32, #tpu.memory_space<vmem>> -> memref<1x128xi32, #tpu.memory_space<vmem>>
        %dma_wait3A_22 = tpu.memref_squeeze %dma_wait3A_21 : memref<1x128xi32, #tpu.memory_space<vmem>> -> memref<128xi32, #tpu.memory_space<vmem>>
        %dma_wait3A_23 = arith.constant 0 : i32
        %dma_wait3A_24 = arith.constant 0 : i32
        %dma_wait3A_25 = tpu.memref_slice %arg8[%dma_wait3A_23, %dma_wait3A_24] : memref<10240x128xf32, #tpu.memory_space<vmem_shared>> -> memref<10240x128xf32, #tpu.memory_space<vmem_shared>>
        tpu.wait_indirect_dma semaphore(%run_scoped3A : memref<!tpu.dma_semaphore, #tpu.memory_space<semaphore_mem>>) src(%arg7 : memref<128x128xf32, #tpu.memory_space<vmem>>) dst(%dma_wait3A_25 : memref<10240x128xf32, #tpu.memory_space<vmem_shared>>)
        tpu.yield
      }) : () -> ()
    }
    %scan3A_9 = arith.constant 40 : i32
    %barrier3A_10 = arith.constant 0 : index
    tpu.barrier barrier_id(%barrier3A_10)
    %mul3A_11 = arith.constant 640 : i32
    %mul3A_12 = arith.muli %arg1, %mul3A_11 : i32
    %mul3A_13 = arith.constant 640 : i32
    %mul3A_14 = arith.muli %arg1, %mul3A_13 : i32
    "tpu.region"() ({
      %run_scoped3A = tpu.sem_alloc : memref<!tpu.dma_semaphore, #tpu.memory_space<semaphore_mem>>
      %dma_start3A = arith.constant 0 : i32
      %dma_start3A_15 = tpu.memref_slice %arg5[%arg0, %mul3A_14, %dma_start3A] : memref<2x10240x128xf32, #tpu.memory_space<hbm>> -> memref<1x640x128xf32, #tpu.memory_space<hbm>>
      %dma_start3A_16 = tpu.memref_squeeze %dma_start3A_15 : memref<1x640x128xf32, #tpu.memory_space<hbm>> -> memref<640x128xf32, #tpu.memory_space<hbm>>
      %dma_start3A_17 = arith.constant 0 : i32
      %dma_start3A_18 = tpu.memref_slice %arg8[%mul3A_12, %dma_start3A_17] : memref<10240x128xf32, #tpu.memory_space<vmem_shared>> -> memref<640x128xf32, #tpu.memory_space<vmem_shared>>
      tpu.enqueue_dma source(%dma_start3A_18 : memref<640x128xf32, #tpu.memory_space<vmem_shared>>) target(%dma_start3A_16 : memref<640x128xf32, #tpu.memory_space<hbm>>) target_semaphore(%run_scoped3A : memref<!tpu.dma_semaphore, #tpu.memory_space<semaphore_mem>>)
      %dma_wait3A = arith.constant 0 : i32
      %dma_wait3A_19 = tpu.memref_slice %arg5[%arg0, %mul3A_14, %dma_wait3A] : memref<2x10240x128xf32, #tpu.memory_space<hbm>> -> memref<1x640x128xf32, #tpu.memory_space<hbm>>
      %dma_wait3A_20 = tpu.memref_squeeze %dma_wait3A_19 : memref<1x640x128xf32, #tpu.memory_space<hbm>> -> memref<640x128xf32, #tpu.memory_space<hbm>>
      %dma_wait3A_21 = arith.constant 0 : i32
      %dma_wait3A_22 = tpu.memref_slice %arg8[%mul3A_12, %dma_wait3A_21] : memref<10240x128xf32, #tpu.memory_space<vmem_shared>> -> memref<640x128xf32, #tpu.memory_space<vmem_shared>>
      tpu.wait_dma2 semaphore(%run_scoped3A : memref<!tpu.dma_semaphore, #tpu.memory_space<semaphore_mem>>) src(%dma_wait3A_22 : memref<640x128xf32, #tpu.memory_space<vmem_shared>>) dst(%dma_wait3A_20 : memref<640x128xf32, #tpu.memory_space<hbm>>)
      tpu.yield
    }) : () -> ()
    return
  }
}

#map = affine_map<(d0, d1) -> (0, 0)>
#map1 = affine_map<(d0, d1) -> (0, 0, 0)>
module attributes {stable_mosaic.version = 14 : i64} {
  func.func @_prop_body(%arg0: i32, %arg1: i32, %arg2: memref<10000x128xf32, #tpu.memory_space<hbm>>, %arg3: memref<1280x128xi32, #tpu.memory_space<hbm>>, %arg4: memref<1280x128xi32, #tpu.memory_space<hbm>>, %arg5: memref<640x128xf32, #tpu.memory_space<hbm>>, %arg6: memref<2x10240x128xf32, #tpu.memory_space<hbm>>, %arg7: memref<2x128xi32, #tpu.memory_space<vmem>>, %arg8: memref<2x128xi32, #tpu.memory_space<vmem>>, %arg9: memref<2x128x128xf32, #tpu.memory_space<vmem>>, %arg10: memref<10240x128xf32, #tpu.memory_space<vmem_shared>>, %arg11: memref<2x!tpu.dma_semaphore, #tpu.memory_space<semaphore_mem>>, %arg12: memref<2x2x!tpu.dma_semaphore, #tpu.memory_space<semaphore_mem>>) attributes {dimension_semantics = [#tpu.dimension_semantics<core_parallel>, #tpu.dimension_semantics<subcore_parallel>], iteration_bounds = array<i64: 2, 16>, scalar_prefetch = 0 : i64, scratch_operands = 6 : i64, tpu.core_type = #tpu.core_type<sc_vector_subcore>, window_params = [{transform_indices = #map}, {transform_indices = #map}, {transform_indices = #map}, {transform_indices = #map}, {transform_indices = #map1}]} {
    %eq3A = arith.constant 0 : i32
    %eq3A_0 = arith.cmpi eq, %arg0, %eq3A : i32
    %mul3A = arith.constant 65 : i32
    %mul3A_1 = arith.muli %arg1, %mul3A : i32
    %mul3A_2 = arith.constant 15 : i32
    %mul3A_3 = arith.muli %arg1, %mul3A_2 : i32
    %add3A = arith.constant 1040 : i32
    %add3A_4 = arith.addi %add3A, %mul3A_3 : i32
    %select_n3A = arith.select %eq3A_0, %mul3A_1, %add3A_4 : i32
    %eq3A_5 = arith.constant 0 : i32
    %eq3A_6 = arith.cmpi eq, %arg0, %eq3A_5 : i32
    %jit3A = arith.constant 65 : i32
    %jit3A_7 = arith.constant 15 : i32
    %select_n3A_8 = arith.select %eq3A_6, %jit3A, %jit3A_7 : i32
    %mul3A_9 = arith.constant 640 : i32
    %mul3A_10 = arith.muli %arg1, %mul3A_9 : i32
    "tpu.region"() ({
      %run_scoped3A = tpu.sem_alloc : memref<!tpu.dma_semaphore, #tpu.memory_space<semaphore_mem>>
      %dma_start3A = arith.constant 0 : i32
      %dma_start3A_27 = tpu.memref_slice %arg10[%mul3A_10, %dma_start3A] : memref<10240x128xf32, #tpu.memory_space<vmem_shared>> -> memref<640x128xf32, #tpu.memory_space<vmem_shared>>
      tpu.enqueue_dma source(%arg5 : memref<640x128xf32, #tpu.memory_space<hbm>>) target(%dma_start3A_27 : memref<640x128xf32, #tpu.memory_space<vmem_shared>>) target_semaphore(%run_scoped3A : memref<!tpu.dma_semaphore, #tpu.memory_space<semaphore_mem>>)
      %dma_wait3A = arith.constant 0 : i32
      %dma_wait3A_28 = tpu.memref_slice %arg10[%mul3A_10, %dma_wait3A] : memref<10240x128xf32, #tpu.memory_space<vmem_shared>> -> memref<640x128xf32, #tpu.memory_space<vmem_shared>>
      tpu.wait_dma2 semaphore(%run_scoped3A : memref<!tpu.dma_semaphore, #tpu.memory_space<semaphore_mem>>) src(%arg5 : memref<640x128xf32, #tpu.memory_space<hbm>>) dst(%dma_wait3A_28 : memref<640x128xf32, #tpu.memory_space<vmem_shared>>)
      tpu.yield
    }) : () -> ()
    %barrier3A = arith.constant 0 : index
    tpu.barrier barrier_id(%barrier3A)
    %gt3A = arith.constant 0 : i32
    %gt3A_11 = arith.cmpi sgt, %select_n3A_8, %gt3A : i32
    %convert_element_type3A = arith.extui %gt3A_11 : i1 to i32
    %cond3A = arith.constant 0 : i32
    %cond3A_12 = arith.cmpi ne, %convert_element_type3A, %cond3A : i32
    scf.if %cond3A_12 {
      %rem3A = arith.constant 0 : i32
      %rem3A_27 = arith.constant 2 : i32
      %rem3A_28 = arith.remsi %rem3A, %rem3A_27 : i32
      %add3A_29 = arith.constant 0 : i32
      %add3A_30 = arith.addi %select_n3A, %add3A_29 : i32
      %dma_start3A = arith.constant 0 : i32
      %dma_start3A_31 = arith.constant 0 : i32
      %dma_start3A_32 = tpu.memref_slice %arg7[%rem3A_28, %dma_start3A_31] : memref<2x128xi32, #tpu.memory_space<vmem>> -> memref<1x128xi32, #tpu.memory_space<vmem>>
      %dma_start3A_33 = tpu.memref_squeeze %dma_start3A_32 : memref<1x128xi32, #tpu.memory_space<vmem>> -> memref<128xi32, #tpu.memory_space<vmem>>
      %dma_start3A_34 = arith.constant 0 : i32
      %dma_start3A_35 = tpu.memref_slice %arg3[%add3A_30, %dma_start3A_34] : memref<1280x128xi32, #tpu.memory_space<hbm>> -> memref<1x128xi32, #tpu.memory_space<hbm>>
      %dma_start3A_36 = tpu.memref_squeeze %dma_start3A_35 : memref<1x128xi32, #tpu.memory_space<hbm>> -> memref<128xi32, #tpu.memory_space<hbm>>
      %dma_start3A_37 = tpu.memref_slice %arg12[%rem3A_28, %dma_start3A] : memref<2x2x!tpu.dma_semaphore, #tpu.memory_space<semaphore_mem>> -> memref<1x1x!tpu.dma_semaphore, #tpu.memory_space<semaphore_mem>>
      %dma_start3A_38 = tpu.memref_squeeze %dma_start3A_37 : memref<1x1x!tpu.dma_semaphore, #tpu.memory_space<semaphore_mem>> -> memref<!tpu.dma_semaphore, #tpu.memory_space<semaphore_mem>>
      %dma_start3A_39 = arith.constant 0 : i32
      %dma_start3A_40 = tpu.memref_slice %arg7[%rem3A_28, %dma_start3A_39] : memref<2x128xi32, #tpu.memory_space<vmem>> -> memref<1x128xi32, #tpu.memory_space<vmem>>
      %dma_start3A_41 = tpu.memref_squeeze %dma_start3A_40 : memref<1x128xi32, #tpu.memory_space<vmem>> -> memref<128xi32, #tpu.memory_space<vmem>>
      %dma_start3A_42 = arith.constant 0 : i32
      %dma_start3A_43 = tpu.memref_slice %arg3[%add3A_30, %dma_start3A_42] : memref<1280x128xi32, #tpu.memory_space<hbm>> -> memref<1x128xi32, #tpu.memory_space<hbm>>
      %dma_start3A_44 = tpu.memref_squeeze %dma_start3A_43 : memref<1x128xi32, #tpu.memory_space<hbm>> -> memref<128xi32, #tpu.memory_space<hbm>>
      tpu.enqueue_dma source(%dma_start3A_44 : memref<128xi32, #tpu.memory_space<hbm>>) target(%dma_start3A_41 : memref<128xi32, #tpu.memory_space<vmem>>) target_semaphore(%dma_start3A_38 : memref<!tpu.dma_semaphore, #tpu.memory_space<semaphore_mem>>)
      %add3A_45 = arith.constant 0 : i32
      %add3A_46 = arith.addi %select_n3A, %add3A_45 : i32
      %dma_start3A_47 = arith.constant 1 : i32
      %dma_start3A_48 = arith.constant 0 : i32
      %dma_start3A_49 = tpu.memref_slice %arg8[%rem3A_28, %dma_start3A_48] : memref<2x128xi32, #tpu.memory_space<vmem>> -> memref<1x128xi32, #tpu.memory_space<vmem>>
      %dma_start3A_50 = tpu.memref_squeeze %dma_start3A_49 : memref<1x128xi32, #tpu.memory_space<vmem>> -> memref<128xi32, #tpu.memory_space<vmem>>
      %dma_start3A_51 = arith.constant 0 : i32
      %dma_start3A_52 = tpu.memref_slice %arg4[%add3A_46, %dma_start3A_51] : memref<1280x128xi32, #tpu.memory_space<hbm>> -> memref<1x128xi32, #tpu.memory_space<hbm>>
      %dma_start3A_53 = tpu.memref_squeeze %dma_start3A_52 : memref<1x128xi32, #tpu.memory_space<hbm>> -> memref<128xi32, #tpu.memory_space<hbm>>
      %dma_start3A_54 = tpu.memref_slice %arg12[%rem3A_28, %dma_start3A_47] : memref<2x2x!tpu.dma_semaphore, #tpu.memory_space<semaphore_mem>> -> memref<1x1x!tpu.dma_semaphore, #tpu.memory_space<semaphore_mem>>
      %dma_start3A_55 = tpu.memref_squeeze %dma_start3A_54 : memref<1x1x!tpu.dma_semaphore, #tpu.memory_space<semaphore_mem>> -> memref<!tpu.dma_semaphore, #tpu.memory_space<semaphore_mem>>
      %dma_start3A_56 = arith.constant 0 : i32
      %dma_start3A_57 = tpu.memref_slice %arg8[%rem3A_28, %dma_start3A_56] : memref<2x128xi32, #tpu.memory_space<vmem>> -> memref<1x128xi32, #tpu.memory_space<vmem>>
      %dma_start3A_58 = tpu.memref_squeeze %dma_start3A_57 : memref<1x128xi32, #tpu.memory_space<vmem>> -> memref<128xi32, #tpu.memory_space<vmem>>
      %dma_start3A_59 = arith.constant 0 : i32
      %dma_start3A_60 = tpu.memref_slice %arg4[%add3A_46, %dma_start3A_59] : memref<1280x128xi32, #tpu.memory_space<hbm>> -> memref<1x128xi32, #tpu.memory_space<hbm>>
      %dma_start3A_61 = tpu.memref_squeeze %dma_start3A_60 : memref<1x128xi32, #tpu.memory_space<hbm>> -> memref<128xi32, #tpu.memory_space<hbm>>
      tpu.enqueue_dma source(%dma_start3A_61 : memref<128xi32, #tpu.memory_space<hbm>>) target(%dma_start3A_58 : memref<128xi32, #tpu.memory_space<vmem>>) target_semaphore(%dma_start3A_55 : memref<!tpu.dma_semaphore, #tpu.memory_space<semaphore_mem>>)
    } else {
    }
    %while3A = arith.constant 0 : i32
    %while3A_13 = arith.constant 0 : i32
    %while3A_14 = arith.subi %select_n3A_8, %while3A_13 : i32
    %while3A_15 = arith.addi %while3A_13, %while3A_14 : i32
    %while3A_16 = arith.constant 1 : i32
    %while3A_17 = arith.divsi %while3A_14, %while3A_16 : i32
    %while3A_18 = arith.muli %while3A_17, %while3A_16 : i32
    %while3A_19 = arith.addi %while3A_13, %while3A_18 : i32
    %while3A_20 = arith.constant 1 : i32
    scf.for %while3A_27 = %while3A_13 to %while3A_19 step %while3A_20  : i32 {
      %rem3A = arith.constant 2 : i32
      %rem3A_28 = arith.remsi %while3A_27, %rem3A : i32
      %add3A_29 = arith.constant 2 : i32
      %add3A_30 = arith.addi %while3A_27, %add3A_29 : i32
      %sub3A = arith.constant 1 : i32
      %sub3A_31 = arith.subi %add3A_30, %sub3A : i32
      %add3A_32 = arith.constant 2 : i32
      %add3A_33 = arith.addi %while3A_27, %add3A_32 : i32
      %sub3A_34 = arith.constant 2 : i32
      %sub3A_35 = arith.subi %add3A_33, %sub3A_34 : i32
      %lt3A = arith.cmpi slt, %sub3A_31, %select_n3A_8 : i32
      %convert_element_type3A_36 = arith.extui %lt3A : i1 to i32
      %cond3A_37 = arith.constant 0 : i32
      %cond3A_38 = arith.cmpi ne, %convert_element_type3A_36, %cond3A_37 : i32
      scf.if %cond3A_38 {
        %rem3A_69 = arith.constant 2 : i32
        %rem3A_70 = arith.remsi %sub3A_31, %rem3A_69 : i32
        %add3A_71 = arith.addi %select_n3A, %sub3A_31 : i32
        %dma_start3A = arith.constant 0 : i32
        %dma_start3A_72 = arith.constant 0 : i32
        %dma_start3A_73 = tpu.memref_slice %arg7[%rem3A_70, %dma_start3A_72] : memref<2x128xi32, #tpu.memory_space<vmem>> -> memref<1x128xi32, #tpu.memory_space<vmem>>
        %dma_start3A_74 = tpu.memref_squeeze %dma_start3A_73 : memref<1x128xi32, #tpu.memory_space<vmem>> -> memref<128xi32, #tpu.memory_space<vmem>>
        %dma_start3A_75 = arith.constant 0 : i32
        %dma_start3A_76 = tpu.memref_slice %arg3[%add3A_71, %dma_start3A_75] : memref<1280x128xi32, #tpu.memory_space<hbm>> -> memref<1x128xi32, #tpu.memory_space<hbm>>
        %dma_start3A_77 = tpu.memref_squeeze %dma_start3A_76 : memref<1x128xi32, #tpu.memory_space<hbm>> -> memref<128xi32, #tpu.memory_space<hbm>>
        %dma_start3A_78 = tpu.memref_slice %arg12[%rem3A_70, %dma_start3A] : memref<2x2x!tpu.dma_semaphore, #tpu.memory_space<semaphore_mem>> -> memref<1x1x!tpu.dma_semaphore, #tpu.memory_space<semaphore_mem>>
        %dma_start3A_79 = tpu.memref_squeeze %dma_start3A_78 : memref<1x1x!tpu.dma_semaphore, #tpu.memory_space<semaphore_mem>> -> memref<!tpu.dma_semaphore, #tpu.memory_space<semaphore_mem>>
        %dma_start3A_80 = arith.constant 0 : i32
        %dma_start3A_81 = tpu.memref_slice %arg7[%rem3A_70, %dma_start3A_80] : memref<2x128xi32, #tpu.memory_space<vmem>> -> memref<1x128xi32, #tpu.memory_space<vmem>>
        %dma_start3A_82 = tpu.memref_squeeze %dma_start3A_81 : memref<1x128xi32, #tpu.memory_space<vmem>> -> memref<128xi32, #tpu.memory_space<vmem>>
        %dma_start3A_83 = arith.constant 0 : i32
        %dma_start3A_84 = tpu.memref_slice %arg3[%add3A_71, %dma_start3A_83] : memref<1280x128xi32, #tpu.memory_space<hbm>> -> memref<1x128xi32, #tpu.memory_space<hbm>>
        %dma_start3A_85 = tpu.memref_squeeze %dma_start3A_84 : memref<1x128xi32, #tpu.memory_space<hbm>> -> memref<128xi32, #tpu.memory_space<hbm>>
        tpu.enqueue_dma source(%dma_start3A_85 : memref<128xi32, #tpu.memory_space<hbm>>) target(%dma_start3A_82 : memref<128xi32, #tpu.memory_space<vmem>>) target_semaphore(%dma_start3A_79 : memref<!tpu.dma_semaphore, #tpu.memory_space<semaphore_mem>>)
        %add3A_86 = arith.addi %select_n3A, %sub3A_31 : i32
        %dma_start3A_87 = arith.constant 1 : i32
        %dma_start3A_88 = arith.constant 0 : i32
        %dma_start3A_89 = tpu.memref_slice %arg8[%rem3A_70, %dma_start3A_88] : memref<2x128xi32, #tpu.memory_space<vmem>> -> memref<1x128xi32, #tpu.memory_space<vmem>>
        %dma_start3A_90 = tpu.memref_squeeze %dma_start3A_89 : memref<1x128xi32, #tpu.memory_space<vmem>> -> memref<128xi32, #tpu.memory_space<vmem>>
        %dma_start3A_91 = arith.constant 0 : i32
        %dma_start3A_92 = tpu.memref_slice %arg4[%add3A_86, %dma_start3A_91] : memref<1280x128xi32, #tpu.memory_space<hbm>> -> memref<1x128xi32, #tpu.memory_space<hbm>>
        %dma_start3A_93 = tpu.memref_squeeze %dma_start3A_92 : memref<1x128xi32, #tpu.memory_space<hbm>> -> memref<128xi32, #tpu.memory_space<hbm>>
        %dma_start3A_94 = tpu.memref_slice %arg12[%rem3A_70, %dma_start3A_87] : memref<2x2x!tpu.dma_semaphore, #tpu.memory_space<semaphore_mem>> -> memref<1x1x!tpu.dma_semaphore, #tpu.memory_space<semaphore_mem>>
        %dma_start3A_95 = tpu.memref_squeeze %dma_start3A_94 : memref<1x1x!tpu.dma_semaphore, #tpu.memory_space<semaphore_mem>> -> memref<!tpu.dma_semaphore, #tpu.memory_space<semaphore_mem>>
        %dma_start3A_96 = arith.constant 0 : i32
        %dma_start3A_97 = tpu.memref_slice %arg8[%rem3A_70, %dma_start3A_96] : memref<2x128xi32, #tpu.memory_space<vmem>> -> memref<1x128xi32, #tpu.memory_space<vmem>>
        %dma_start3A_98 = tpu.memref_squeeze %dma_start3A_97 : memref<1x128xi32, #tpu.memory_space<vmem>> -> memref<128xi32, #tpu.memory_space<vmem>>
        %dma_start3A_99 = arith.constant 0 : i32
        %dma_start3A_100 = tpu.memref_slice %arg4[%add3A_86, %dma_start3A_99] : memref<1280x128xi32, #tpu.memory_space<hbm>> -> memref<1x128xi32, #tpu.memory_space<hbm>>
        %dma_start3A_101 = tpu.memref_squeeze %dma_start3A_100 : memref<1x128xi32, #tpu.memory_space<hbm>> -> memref<128xi32, #tpu.memory_space<hbm>>
        tpu.enqueue_dma source(%dma_start3A_101 : memref<128xi32, #tpu.memory_space<hbm>>) target(%dma_start3A_98 : memref<128xi32, #tpu.memory_space<vmem>>) target_semaphore(%dma_start3A_95 : memref<!tpu.dma_semaphore, #tpu.memory_space<semaphore_mem>>)
      } else {
      }
      %lt3A_39 = arith.cmpi slt, %sub3A_35, %select_n3A_8 : i32
      %convert_element_type3A_40 = arith.extui %lt3A_39 : i1 to i32
      %cond3A_41 = arith.constant 0 : i32
      %cond3A_42 = arith.cmpi ne, %convert_element_type3A_40, %cond3A_41 : i32
      scf.if %cond3A_42 {
        %rem3A_69 = arith.constant 2 : i32
        %rem3A_70 = arith.remsi %sub3A_35, %rem3A_69 : i32
        %add3A_71 = arith.addi %select_n3A, %sub3A_35 : i32
        %dma_wait3A_72 = arith.constant 0 : i32
        %dma_wait3A_73 = arith.constant 0 : i32
        %dma_wait3A_74 = tpu.memref_slice %arg7[%rem3A_70, %dma_wait3A_73] : memref<2x128xi32, #tpu.memory_space<vmem>> -> memref<1x128xi32, #tpu.memory_space<vmem>>
        %dma_wait3A_75 = tpu.memref_squeeze %dma_wait3A_74 : memref<1x128xi32, #tpu.memory_space<vmem>> -> memref<128xi32, #tpu.memory_space<vmem>>
        %dma_wait3A_76 = arith.constant 0 : i32
        %dma_wait3A_77 = tpu.memref_slice %arg3[%add3A_71, %dma_wait3A_76] : memref<1280x128xi32, #tpu.memory_space<hbm>> -> memref<1x128xi32, #tpu.memory_space<hbm>>
        %dma_wait3A_78 = tpu.memref_squeeze %dma_wait3A_77 : memref<1x128xi32, #tpu.memory_space<hbm>> -> memref<128xi32, #tpu.memory_space<hbm>>
        %dma_wait3A_79 = tpu.memref_slice %arg12[%rem3A_70, %dma_wait3A_72] : memref<2x2x!tpu.dma_semaphore, #tpu.memory_space<semaphore_mem>> -> memref<1x1x!tpu.dma_semaphore, #tpu.memory_space<semaphore_mem>>
        %dma_wait3A_80 = tpu.memref_squeeze %dma_wait3A_79 : memref<1x1x!tpu.dma_semaphore, #tpu.memory_space<semaphore_mem>> -> memref<!tpu.dma_semaphore, #tpu.memory_space<semaphore_mem>>
        %dma_wait3A_81 = arith.constant 0 : i32
        %dma_wait3A_82 = tpu.memref_slice %arg7[%rem3A_70, %dma_wait3A_81] : memref<2x128xi32, #tpu.memory_space<vmem>> -> memref<1x128xi32, #tpu.memory_space<vmem>>
        %dma_wait3A_83 = tpu.memref_squeeze %dma_wait3A_82 : memref<1x128xi32, #tpu.memory_space<vmem>> -> memref<128xi32, #tpu.memory_space<vmem>>
        %dma_wait3A_84 = arith.constant 0 : i32
        %dma_wait3A_85 = tpu.memref_slice %arg3[%add3A_71, %dma_wait3A_84] : memref<1280x128xi32, #tpu.memory_space<hbm>> -> memref<1x128xi32, #tpu.memory_space<hbm>>
        %dma_wait3A_86 = tpu.memref_squeeze %dma_wait3A_85 : memref<1x128xi32, #tpu.memory_space<hbm>> -> memref<128xi32, #tpu.memory_space<hbm>>
        tpu.wait_dma2 semaphore(%dma_wait3A_80 : memref<!tpu.dma_semaphore, #tpu.memory_space<semaphore_mem>>) src(%dma_wait3A_86 : memref<128xi32, #tpu.memory_space<hbm>>) dst(%dma_wait3A_83 : memref<128xi32, #tpu.memory_space<vmem>>)
        %dma_start3A = arith.constant 0 : i32
        %dma_start3A_87 = arith.constant 0 : i32
        %dma_start3A_88 = tpu.memref_slice %arg9[%rem3A_70, %dma_start3A, %dma_start3A_87] : memref<2x128x128xf32, #tpu.memory_space<vmem>> -> memref<1x128x128xf32, #tpu.memory_space<vmem>>
        %dma_start3A_89 = tpu.memref_squeeze %dma_start3A_88 : memref<1x128x128xf32, #tpu.memory_space<vmem>> -> memref<128x128xf32, #tpu.memory_space<vmem>>
        %dma_start3A_90 = arith.constant 0 : i32
        %dma_start3A_91 = tpu.memref_slice %arg7[%rem3A_70, %dma_start3A_90] : memref<2x128xi32, #tpu.memory_space<vmem>> -> memref<1x128xi32, #tpu.memory_space<vmem>>
        %dma_start3A_92 = tpu.memref_squeeze %dma_start3A_91 : memref<1x128xi32, #tpu.memory_space<vmem>> -> memref<128xi32, #tpu.memory_space<vmem>>
        %dma_start3A_93 = arith.constant 0 : i32
        %dma_start3A_94 = arith.constant 0 : i32
        %dma_start3A_95 = tpu.memref_slice %arg2[%dma_start3A_93, %dma_start3A_94] : memref<10000x128xf32, #tpu.memory_space<hbm>> -> memref<10000x128xf32, #tpu.memory_space<hbm>>
        %dma_start3A_96 = tpu.memref_slice %arg11[%rem3A_70] : memref<2x!tpu.dma_semaphore, #tpu.memory_space<semaphore_mem>> -> memref<1x!tpu.dma_semaphore, #tpu.memory_space<semaphore_mem>>
        %dma_start3A_97 = tpu.memref_squeeze %dma_start3A_96 : memref<1x!tpu.dma_semaphore, #tpu.memory_space<semaphore_mem>> -> memref<!tpu.dma_semaphore, #tpu.memory_space<semaphore_mem>>
        tpu.enqueue_indirect_dma source(%dma_start3A_95 : memref<10000x128xf32, #tpu.memory_space<hbm>>) target(%dma_start3A_89 : memref<128x128xf32, #tpu.memory_space<vmem>>) offsets(%dma_start3A_92 : memref<128xi32, #tpu.memory_space<vmem>>) semaphore(%dma_start3A_97 : memref<!tpu.dma_semaphore, #tpu.memory_space<semaphore_mem>>)
      } else {
      }
      %dma_wait3A = arith.constant 0 : i32
      %dma_wait3A_43 = arith.constant 0 : i32
      %dma_wait3A_44 = tpu.memref_slice %arg9[%rem3A_28, %dma_wait3A, %dma_wait3A_43] : memref<2x128x128xf32, #tpu.memory_space<vmem>> -> memref<1x128x128xf32, #tpu.memory_space<vmem>>
      %dma_wait3A_45 = tpu.memref_squeeze %dma_wait3A_44 : memref<1x128x128xf32, #tpu.memory_space<vmem>> -> memref<128x128xf32, #tpu.memory_space<vmem>>
      %dma_wait3A_46 = arith.constant 0 : i32
      %dma_wait3A_47 = tpu.memref_slice %arg7[%rem3A_28, %dma_wait3A_46] : memref<2x128xi32, #tpu.memory_space<vmem>> -> memref<1x128xi32, #tpu.memory_space<vmem>>
      %dma_wait3A_48 = tpu.memref_squeeze %dma_wait3A_47 : memref<1x128xi32, #tpu.memory_space<vmem>> -> memref<128xi32, #tpu.memory_space<vmem>>
      %dma_wait3A_49 = arith.constant 0 : i32
      %dma_wait3A_50 = arith.constant 0 : i32
      %dma_wait3A_51 = tpu.memref_slice %arg2[%dma_wait3A_49, %dma_wait3A_50] : memref<10000x128xf32, #tpu.memory_space<hbm>> -> memref<10000x128xf32, #tpu.memory_space<hbm>>
      %dma_wait3A_52 = tpu.memref_slice %arg11[%rem3A_28] : memref<2x!tpu.dma_semaphore, #tpu.memory_space<semaphore_mem>> -> memref<1x!tpu.dma_semaphore, #tpu.memory_space<semaphore_mem>>
      %dma_wait3A_53 = tpu.memref_squeeze %dma_wait3A_52 : memref<1x!tpu.dma_semaphore, #tpu.memory_space<semaphore_mem>> -> memref<!tpu.dma_semaphore, #tpu.memory_space<semaphore_mem>>
      tpu.wait_indirect_dma semaphore(%dma_wait3A_53 : memref<!tpu.dma_semaphore, #tpu.memory_space<semaphore_mem>>) src(%dma_wait3A_51 : memref<10000x128xf32, #tpu.memory_space<hbm>>) dst(%dma_wait3A_45 : memref<128x128xf32, #tpu.memory_space<vmem>>)
      %dma_wait3A_54 = arith.constant 1 : i32
      %dma_wait3A_55 = arith.constant 0 : i32
      %dma_wait3A_56 = tpu.memref_slice %arg8[%rem3A_28, %dma_wait3A_55] : memref<2x128xi32, #tpu.memory_space<vmem>> -> memref<1x128xi32, #tpu.memory_space<vmem>>
      %dma_wait3A_57 = tpu.memref_squeeze %dma_wait3A_56 : memref<1x128xi32, #tpu.memory_space<vmem>> -> memref<128xi32, #tpu.memory_space<vmem>>
      %dma_wait3A_58 = arith.constant 0 : i32
      %dma_wait3A_59 = tpu.memref_slice %arg4[%select_n3A, %dma_wait3A_58] : memref<1280x128xi32, #tpu.memory_space<hbm>> -> memref<1x128xi32, #tpu.memory_space<hbm>>
      %dma_wait3A_60 = tpu.memref_squeeze %dma_wait3A_59 : memref<1x128xi32, #tpu.memory_space<hbm>> -> memref<128xi32, #tpu.memory_space<hbm>>
      %dma_wait3A_61 = tpu.memref_slice %arg12[%rem3A_28, %dma_wait3A_54] : memref<2x2x!tpu.dma_semaphore, #tpu.memory_space<semaphore_mem>> -> memref<1x1x!tpu.dma_semaphore, #tpu.memory_space<semaphore_mem>>
      %dma_wait3A_62 = tpu.memref_squeeze %dma_wait3A_61 : memref<1x1x!tpu.dma_semaphore, #tpu.memory_space<semaphore_mem>> -> memref<!tpu.dma_semaphore, #tpu.memory_space<semaphore_mem>>
      %dma_wait3A_63 = arith.constant 0 : i32
      %dma_wait3A_64 = tpu.memref_slice %arg8[%rem3A_28, %dma_wait3A_63] : memref<2x128xi32, #tpu.memory_space<vmem>> -> memref<1x128xi32, #tpu.memory_space<vmem>>
      %dma_wait3A_65 = tpu.memref_squeeze %dma_wait3A_64 : memref<1x128xi32, #tpu.memory_space<vmem>> -> memref<128xi32, #tpu.memory_space<vmem>>
      %dma_wait3A_66 = arith.constant 0 : i32
      %dma_wait3A_67 = tpu.memref_slice %arg4[%select_n3A, %dma_wait3A_66] : memref<1280x128xi32, #tpu.memory_space<hbm>> -> memref<1x128xi32, #tpu.memory_space<hbm>>
      %dma_wait3A_68 = tpu.memref_squeeze %dma_wait3A_67 : memref<1x128xi32, #tpu.memory_space<hbm>> -> memref<128xi32, #tpu.memory_space<hbm>>
      tpu.wait_dma2 semaphore(%dma_wait3A_62 : memref<!tpu.dma_semaphore, #tpu.memory_space<semaphore_mem>>) src(%dma_wait3A_68 : memref<128xi32, #tpu.memory_space<hbm>>) dst(%dma_wait3A_65 : memref<128xi32, #tpu.memory_space<vmem>>)
      "tpu.region"() ({
        %run_scoped3A = tpu.sem_alloc : memref<!tpu.dma_semaphore, #tpu.memory_space<semaphore_mem>>
        %dma_start3A = arith.constant 0 : i32
        %dma_start3A_69 = arith.constant 0 : i32
        %dma_start3A_70 = tpu.memref_slice %arg9[%rem3A_28, %dma_start3A, %dma_start3A_69] : memref<2x128x128xf32, #tpu.memory_space<vmem>> -> memref<1x128x128xf32, #tpu.memory_space<vmem>>
        %dma_start3A_71 = tpu.memref_squeeze %dma_start3A_70 : memref<1x128x128xf32, #tpu.memory_space<vmem>> -> memref<128x128xf32, #tpu.memory_space<vmem>>
        %dma_start3A_72 = arith.constant 0 : i32
        %dma_start3A_73 = tpu.memref_slice %arg8[%rem3A_28, %dma_start3A_72] : memref<2x128xi32, #tpu.memory_space<vmem>> -> memref<1x128xi32, #tpu.memory_space<vmem>>
        %dma_start3A_74 = tpu.memref_squeeze %dma_start3A_73 : memref<1x128xi32, #tpu.memory_space<vmem>> -> memref<128xi32, #tpu.memory_space<vmem>>
        %dma_start3A_75 = arith.constant 0 : i32
        %dma_start3A_76 = arith.constant 0 : i32
        %dma_start3A_77 = tpu.memref_slice %arg10[%dma_start3A_75, %dma_start3A_76] : memref<10240x128xf32, #tpu.memory_space<vmem_shared>> -> memref<10240x128xf32, #tpu.memory_space<vmem_shared>>
        tpu.enqueue_indirect_dma source(%dma_start3A_71 : memref<128x128xf32, #tpu.memory_space<vmem>>) target(%dma_start3A_77 : memref<10240x128xf32, #tpu.memory_space<vmem_shared>>) offsets(%dma_start3A_74 : memref<128xi32, #tpu.memory_space<vmem>>) semaphore(%run_scoped3A : memref<!tpu.dma_semaphore, #tpu.memory_space<semaphore_mem>>) {add = true}
        %dma_wait3A_78 = arith.constant 0 : i32
        %dma_wait3A_79 = arith.constant 0 : i32
        %dma_wait3A_80 = tpu.memref_slice %arg9[%rem3A_28, %dma_wait3A_78, %dma_wait3A_79] : memref<2x128x128xf32, #tpu.memory_space<vmem>> -> memref<1x128x128xf32, #tpu.memory_space<vmem>>
        %dma_wait3A_81 = tpu.memref_squeeze %dma_wait3A_80 : memref<1x128x128xf32, #tpu.memory_space<vmem>> -> memref<128x128xf32, #tpu.memory_space<vmem>>
        %dma_wait3A_82 = arith.constant 0 : i32
        %dma_wait3A_83 = tpu.memref_slice %arg8[%rem3A_28, %dma_wait3A_82] : memref<2x128xi32, #tpu.memory_space<vmem>> -> memref<1x128xi32, #tpu.memory_space<vmem>>
        %dma_wait3A_84 = tpu.memref_squeeze %dma_wait3A_83 : memref<1x128xi32, #tpu.memory_space<vmem>> -> memref<128xi32, #tpu.memory_space<vmem>>
        %dma_wait3A_85 = arith.constant 0 : i32
        %dma_wait3A_86 = arith.constant 0 : i32
        %dma_wait3A_87 = tpu.memref_slice %arg10[%dma_wait3A_85, %dma_wait3A_86] : memref<10240x128xf32, #tpu.memory_space<vmem_shared>> -> memref<10240x128xf32, #tpu.memory_space<vmem_shared>>
        tpu.wait_indirect_dma semaphore(%run_scoped3A : memref<!tpu.dma_semaphore, #tpu.memory_space<semaphore_mem>>) src(%dma_wait3A_81 : memref<128x128xf32, #tpu.memory_space<vmem>>) dst(%dma_wait3A_87 : memref<10240x128xf32, #tpu.memory_space<vmem_shared>>)
        tpu.yield
      }) : () -> ()
    }
    %while3A_21 = arith.constant 1 : i32
    scf.for %while3A_27 = %while3A_19 to %while3A_15 step %while3A_21  : i32 {
      %rem3A = arith.constant 2 : i32
      %rem3A_28 = arith.remsi %while3A_27, %rem3A : i32
      %add3A_29 = arith.constant 2 : i32
      %add3A_30 = arith.addi %while3A_27, %add3A_29 : i32
      %sub3A = arith.constant 1 : i32
      %sub3A_31 = arith.subi %add3A_30, %sub3A : i32
      %add3A_32 = arith.constant 2 : i32
      %add3A_33 = arith.addi %while3A_27, %add3A_32 : i32
      %sub3A_34 = arith.constant 2 : i32
      %sub3A_35 = arith.subi %add3A_33, %sub3A_34 : i32
      %lt3A = arith.cmpi slt, %sub3A_31, %select_n3A_8 : i32
      %convert_element_type3A_36 = arith.extui %lt3A : i1 to i32
      %cond3A_37 = arith.constant 0 : i32
      %cond3A_38 = arith.cmpi ne, %convert_element_type3A_36, %cond3A_37 : i32
      scf.if %cond3A_38 {
        %rem3A_69 = arith.constant 2 : i32
        %rem3A_70 = arith.remsi %sub3A_31, %rem3A_69 : i32
        %add3A_71 = arith.addi %select_n3A, %sub3A_31 : i32
        %dma_start3A = arith.constant 0 : i32
        %dma_start3A_72 = arith.constant 0 : i32
        %dma_start3A_73 = tpu.memref_slice %arg7[%rem3A_70, %dma_start3A_72] : memref<2x128xi32, #tpu.memory_space<vmem>> -> memref<1x128xi32, #tpu.memory_space<vmem>>
        %dma_start3A_74 = tpu.memref_squeeze %dma_start3A_73 : memref<1x128xi32, #tpu.memory_space<vmem>> -> memref<128xi32, #tpu.memory_space<vmem>>
        %dma_start3A_75 = arith.constant 0 : i32
        %dma_start3A_76 = tpu.memref_slice %arg3[%add3A_71, %dma_start3A_75] : memref<1280x128xi32, #tpu.memory_space<hbm>> -> memref<1x128xi32, #tpu.memory_space<hbm>>
        %dma_start3A_77 = tpu.memref_squeeze %dma_start3A_76 : memref<1x128xi32, #tpu.memory_space<hbm>> -> memref<128xi32, #tpu.memory_space<hbm>>
        %dma_start3A_78 = tpu.memref_slice %arg12[%rem3A_70, %dma_start3A] : memref<2x2x!tpu.dma_semaphore, #tpu.memory_space<semaphore_mem>> -> memref<1x1x!tpu.dma_semaphore, #tpu.memory_space<semaphore_mem>>
        %dma_start3A_79 = tpu.memref_squeeze %dma_start3A_78 : memref<1x1x!tpu.dma_semaphore, #tpu.memory_space<semaphore_mem>> -> memref<!tpu.dma_semaphore, #tpu.memory_space<semaphore_mem>>
        %dma_start3A_80 = arith.constant 0 : i32
        %dma_start3A_81 = tpu.memref_slice %arg7[%rem3A_70, %dma_start3A_80] : memref<2x128xi32, #tpu.memory_space<vmem>> -> memref<1x128xi32, #tpu.memory_space<vmem>>
        %dma_start3A_82 = tpu.memref_squeeze %dma_start3A_81 : memref<1x128xi32, #tpu.memory_space<vmem>> -> memref<128xi32, #tpu.memory_space<vmem>>
        %dma_start3A_83 = arith.constant 0 : i32
        %dma_start3A_84 = tpu.memref_slice %arg3[%add3A_71, %dma_start3A_83] : memref<1280x128xi32, #tpu.memory_space<hbm>> -> memref<1x128xi32, #tpu.memory_space<hbm>>
        %dma_start3A_85 = tpu.memref_squeeze %dma_start3A_84 : memref<1x128xi32, #tpu.memory_space<hbm>> -> memref<128xi32, #tpu.memory_space<hbm>>
        tpu.enqueue_dma source(%dma_start3A_85 : memref<128xi32, #tpu.memory_space<hbm>>) target(%dma_start3A_82 : memref<128xi32, #tpu.memory_space<vmem>>) target_semaphore(%dma_start3A_79 : memref<!tpu.dma_semaphore, #tpu.memory_space<semaphore_mem>>)
        %add3A_86 = arith.addi %select_n3A, %sub3A_31 : i32
        %dma_start3A_87 = arith.constant 1 : i32
        %dma_start3A_88 = arith.constant 0 : i32
        %dma_start3A_89 = tpu.memref_slice %arg8[%rem3A_70, %dma_start3A_88] : memref<2x128xi32, #tpu.memory_space<vmem>> -> memref<1x128xi32, #tpu.memory_space<vmem>>
        %dma_start3A_90 = tpu.memref_squeeze %dma_start3A_89 : memref<1x128xi32, #tpu.memory_space<vmem>> -> memref<128xi32, #tpu.memory_space<vmem>>
        %dma_start3A_91 = arith.constant 0 : i32
        %dma_start3A_92 = tpu.memref_slice %arg4[%add3A_86, %dma_start3A_91] : memref<1280x128xi32, #tpu.memory_space<hbm>> -> memref<1x128xi32, #tpu.memory_space<hbm>>
        %dma_start3A_93 = tpu.memref_squeeze %dma_start3A_92 : memref<1x128xi32, #tpu.memory_space<hbm>> -> memref<128xi32, #tpu.memory_space<hbm>>
        %dma_start3A_94 = tpu.memref_slice %arg12[%rem3A_70, %dma_start3A_87] : memref<2x2x!tpu.dma_semaphore, #tpu.memory_space<semaphore_mem>> -> memref<1x1x!tpu.dma_semaphore, #tpu.memory_space<semaphore_mem>>
        %dma_start3A_95 = tpu.memref_squeeze %dma_start3A_94 : memref<1x1x!tpu.dma_semaphore, #tpu.memory_space<semaphore_mem>> -> memref<!tpu.dma_semaphore, #tpu.memory_space<semaphore_mem>>
        %dma_start3A_96 = arith.constant 0 : i32
        %dma_start3A_97 = tpu.memref_slice %arg8[%rem3A_70, %dma_start3A_96] : memref<2x128xi32, #tpu.memory_space<vmem>> -> memref<1x128xi32, #tpu.memory_space<vmem>>
        %dma_start3A_98 = tpu.memref_squeeze %dma_start3A_97 : memref<1x128xi32, #tpu.memory_space<vmem>> -> memref<128xi32, #tpu.memory_space<vmem>>
        %dma_start3A_99 = arith.constant 0 : i32
        %dma_start3A_100 = tpu.memref_slice %arg4[%add3A_86, %dma_start3A_99] : memref<1280x128xi32, #tpu.memory_space<hbm>> -> memref<1x128xi32, #tpu.memory_space<hbm>>
        %dma_start3A_101 = tpu.memref_squeeze %dma_start3A_100 : memref<1x128xi32, #tpu.memory_space<hbm>> -> memref<128xi32, #tpu.memory_space<hbm>>
        tpu.enqueue_dma source(%dma_start3A_101 : memref<128xi32, #tpu.memory_space<hbm>>) target(%dma_start3A_98 : memref<128xi32, #tpu.memory_space<vmem>>) target_semaphore(%dma_start3A_95 : memref<!tpu.dma_semaphore, #tpu.memory_space<semaphore_mem>>)
      } else {
      }
      %lt3A_39 = arith.cmpi slt, %sub3A_35, %select_n3A_8 : i32
      %convert_element_type3A_40 = arith.extui %lt3A_39 : i1 to i32
      %cond3A_41 = arith.constant 0 : i32
      %cond3A_42 = arith.cmpi ne, %convert_element_type3A_40, %cond3A_41 : i32
      scf.if %cond3A_42 {
        %rem3A_69 = arith.constant 2 : i32
        %rem3A_70 = arith.remsi %sub3A_35, %rem3A_69 : i32
        %add3A_71 = arith.addi %select_n3A, %sub3A_35 : i32
        %dma_wait3A_72 = arith.constant 0 : i32
        %dma_wait3A_73 = arith.constant 0 : i32
        %dma_wait3A_74 = tpu.memref_slice %arg7[%rem3A_70, %dma_wait3A_73] : memref<2x128xi32, #tpu.memory_space<vmem>> -> memref<1x128xi32, #tpu.memory_space<vmem>>
        %dma_wait3A_75 = tpu.memref_squeeze %dma_wait3A_74 : memref<1x128xi32, #tpu.memory_space<vmem>> -> memref<128xi32, #tpu.memory_space<vmem>>
        %dma_wait3A_76 = arith.constant 0 : i32
        %dma_wait3A_77 = tpu.memref_slice %arg3[%add3A_71, %dma_wait3A_76] : memref<1280x128xi32, #tpu.memory_space<hbm>> -> memref<1x128xi32, #tpu.memory_space<hbm>>
        %dma_wait3A_78 = tpu.memref_squeeze %dma_wait3A_77 : memref<1x128xi32, #tpu.memory_space<hbm>> -> memref<128xi32, #tpu.memory_space<hbm>>
        %dma_wait3A_79 = tpu.memref_slice %arg12[%rem3A_70, %dma_wait3A_72] : memref<2x2x!tpu.dma_semaphore, #tpu.memory_space<semaphore_mem>> -> memref<1x1x!tpu.dma_semaphore, #tpu.memory_space<semaphore_mem>>
        %dma_wait3A_80 = tpu.memref_squeeze %dma_wait3A_79 : memref<1x1x!tpu.dma_semaphore, #tpu.memory_space<semaphore_mem>> -> memref<!tpu.dma_semaphore, #tpu.memory_space<semaphore_mem>>
        %dma_wait3A_81 = arith.constant 0 : i32
        %dma_wait3A_82 = tpu.memref_slice %arg7[%rem3A_70, %dma_wait3A_81] : memref<2x128xi32, #tpu.memory_space<vmem>> -> memref<1x128xi32, #tpu.memory_space<vmem>>
        %dma_wait3A_83 = tpu.memref_squeeze %dma_wait3A_82 : memref<1x128xi32, #tpu.memory_space<vmem>> -> memref<128xi32, #tpu.memory_space<vmem>>
        %dma_wait3A_84 = arith.constant 0 : i32
        %dma_wait3A_85 = tpu.memref_slice %arg3[%add3A_71, %dma_wait3A_84] : memref<1280x128xi32, #tpu.memory_space<hbm>> -> memref<1x128xi32, #tpu.memory_space<hbm>>
        %dma_wait3A_86 = tpu.memref_squeeze %dma_wait3A_85 : memref<1x128xi32, #tpu.memory_space<hbm>> -> memref<128xi32, #tpu.memory_space<hbm>>
        tpu.wait_dma2 semaphore(%dma_wait3A_80 : memref<!tpu.dma_semaphore, #tpu.memory_space<semaphore_mem>>) src(%dma_wait3A_86 : memref<128xi32, #tpu.memory_space<hbm>>) dst(%dma_wait3A_83 : memref<128xi32, #tpu.memory_space<vmem>>)
        %dma_start3A = arith.constant 0 : i32
        %dma_start3A_87 = arith.constant 0 : i32
        %dma_start3A_88 = tpu.memref_slice %arg9[%rem3A_70, %dma_start3A, %dma_start3A_87] : memref<2x128x128xf32, #tpu.memory_space<vmem>> -> memref<1x128x128xf32, #tpu.memory_space<vmem>>
        %dma_start3A_89 = tpu.memref_squeeze %dma_start3A_88 : memref<1x128x128xf32, #tpu.memory_space<vmem>> -> memref<128x128xf32, #tpu.memory_space<vmem>>
        %dma_start3A_90 = arith.constant 0 : i32
        %dma_start3A_91 = tpu.memref_slice %arg7[%rem3A_70, %dma_start3A_90] : memref<2x128xi32, #tpu.memory_space<vmem>> -> memref<1x128xi32, #tpu.memory_space<vmem>>
        %dma_start3A_92 = tpu.memref_squeeze %dma_start3A_91 : memref<1x128xi32, #tpu.memory_space<vmem>> -> memref<128xi32, #tpu.memory_space<vmem>>
        %dma_start3A_93 = arith.constant 0 : i32
        %dma_start3A_94 = arith.constant 0 : i32
        %dma_start3A_95 = tpu.memref_slice %arg2[%dma_start3A_93, %dma_start3A_94] : memref<10000x128xf32, #tpu.memory_space<hbm>> -> memref<10000x128xf32, #tpu.memory_space<hbm>>
        %dma_start3A_96 = tpu.memref_slice %arg11[%rem3A_70] : memref<2x!tpu.dma_semaphore, #tpu.memory_space<semaphore_mem>> -> memref<1x!tpu.dma_semaphore, #tpu.memory_space<semaphore_mem>>
        %dma_start3A_97 = tpu.memref_squeeze %dma_start3A_96 : memref<1x!tpu.dma_semaphore, #tpu.memory_space<semaphore_mem>> -> memref<!tpu.dma_semaphore, #tpu.memory_space<semaphore_mem>>
        tpu.enqueue_indirect_dma source(%dma_start3A_95 : memref<10000x128xf32, #tpu.memory_space<hbm>>) target(%dma_start3A_89 : memref<128x128xf32, #tpu.memory_space<vmem>>) offsets(%dma_start3A_92 : memref<128xi32, #tpu.memory_space<vmem>>) semaphore(%dma_start3A_97 : memref<!tpu.dma_semaphore, #tpu.memory_space<semaphore_mem>>)
      } else {
      }
      %dma_wait3A = arith.constant 0 : i32
      %dma_wait3A_43 = arith.constant 0 : i32
      %dma_wait3A_44 = tpu.memref_slice %arg9[%rem3A_28, %dma_wait3A, %dma_wait3A_43] : memref<2x128x128xf32, #tpu.memory_space<vmem>> -> memref<1x128x128xf32, #tpu.memory_space<vmem>>
      %dma_wait3A_45 = tpu.memref_squeeze %dma_wait3A_44 : memref<1x128x128xf32, #tpu.memory_space<vmem>> -> memref<128x128xf32, #tpu.memory_space<vmem>>
      %dma_wait3A_46 = arith.constant 0 : i32
      %dma_wait3A_47 = tpu.memref_slice %arg7[%rem3A_28, %dma_wait3A_46] : memref<2x128xi32, #tpu.memory_space<vmem>> -> memref<1x128xi32, #tpu.memory_space<vmem>>
      %dma_wait3A_48 = tpu.memref_squeeze %dma_wait3A_47 : memref<1x128xi32, #tpu.memory_space<vmem>> -> memref<128xi32, #tpu.memory_space<vmem>>
      %dma_wait3A_49 = arith.constant 0 : i32
      %dma_wait3A_50 = arith.constant 0 : i32
      %dma_wait3A_51 = tpu.memref_slice %arg2[%dma_wait3A_49, %dma_wait3A_50] : memref<10000x128xf32, #tpu.memory_space<hbm>> -> memref<10000x128xf32, #tpu.memory_space<hbm>>
      %dma_wait3A_52 = tpu.memref_slice %arg11[%rem3A_28] : memref<2x!tpu.dma_semaphore, #tpu.memory_space<semaphore_mem>> -> memref<1x!tpu.dma_semaphore, #tpu.memory_space<semaphore_mem>>
      %dma_wait3A_53 = tpu.memref_squeeze %dma_wait3A_52 : memref<1x!tpu.dma_semaphore, #tpu.memory_space<semaphore_mem>> -> memref<!tpu.dma_semaphore, #tpu.memory_space<semaphore_mem>>
      tpu.wait_indirect_dma semaphore(%dma_wait3A_53 : memref<!tpu.dma_semaphore, #tpu.memory_space<semaphore_mem>>) src(%dma_wait3A_51 : memref<10000x128xf32, #tpu.memory_space<hbm>>) dst(%dma_wait3A_45 : memref<128x128xf32, #tpu.memory_space<vmem>>)
      %dma_wait3A_54 = arith.constant 1 : i32
      %dma_wait3A_55 = arith.constant 0 : i32
      %dma_wait3A_56 = tpu.memref_slice %arg8[%rem3A_28, %dma_wait3A_55] : memref<2x128xi32, #tpu.memory_space<vmem>> -> memref<1x128xi32, #tpu.memory_space<vmem>>
      %dma_wait3A_57 = tpu.memref_squeeze %dma_wait3A_56 : memref<1x128xi32, #tpu.memory_space<vmem>> -> memref<128xi32, #tpu.memory_space<vmem>>
      %dma_wait3A_58 = arith.constant 0 : i32
      %dma_wait3A_59 = tpu.memref_slice %arg4[%select_n3A, %dma_wait3A_58] : memref<1280x128xi32, #tpu.memory_space<hbm>> -> memref<1x128xi32, #tpu.memory_space<hbm>>
      %dma_wait3A_60 = tpu.memref_squeeze %dma_wait3A_59 : memref<1x128xi32, #tpu.memory_space<hbm>> -> memref<128xi32, #tpu.memory_space<hbm>>
      %dma_wait3A_61 = tpu.memref_slice %arg12[%rem3A_28, %dma_wait3A_54] : memref<2x2x!tpu.dma_semaphore, #tpu.memory_space<semaphore_mem>> -> memref<1x1x!tpu.dma_semaphore, #tpu.memory_space<semaphore_mem>>
      %dma_wait3A_62 = tpu.memref_squeeze %dma_wait3A_61 : memref<1x1x!tpu.dma_semaphore, #tpu.memory_space<semaphore_mem>> -> memref<!tpu.dma_semaphore, #tpu.memory_space<semaphore_mem>>
      %dma_wait3A_63 = arith.constant 0 : i32
      %dma_wait3A_64 = tpu.memref_slice %arg8[%rem3A_28, %dma_wait3A_63] : memref<2x128xi32, #tpu.memory_space<vmem>> -> memref<1x128xi32, #tpu.memory_space<vmem>>
      %dma_wait3A_65 = tpu.memref_squeeze %dma_wait3A_64 : memref<1x128xi32, #tpu.memory_space<vmem>> -> memref<128xi32, #tpu.memory_space<vmem>>
      %dma_wait3A_66 = arith.constant 0 : i32
      %dma_wait3A_67 = tpu.memref_slice %arg4[%select_n3A, %dma_wait3A_66] : memref<1280x128xi32, #tpu.memory_space<hbm>> -> memref<1x128xi32, #tpu.memory_space<hbm>>
      %dma_wait3A_68 = tpu.memref_squeeze %dma_wait3A_67 : memref<1x128xi32, #tpu.memory_space<hbm>> -> memref<128xi32, #tpu.memory_space<hbm>>
      tpu.wait_dma2 semaphore(%dma_wait3A_62 : memref<!tpu.dma_semaphore, #tpu.memory_space<semaphore_mem>>) src(%dma_wait3A_68 : memref<128xi32, #tpu.memory_space<hbm>>) dst(%dma_wait3A_65 : memref<128xi32, #tpu.memory_space<vmem>>)
      "tpu.region"() ({
        %run_scoped3A = tpu.sem_alloc : memref<!tpu.dma_semaphore, #tpu.memory_space<semaphore_mem>>
        %dma_start3A = arith.constant 0 : i32
        %dma_start3A_69 = arith.constant 0 : i32
        %dma_start3A_70 = tpu.memref_slice %arg9[%rem3A_28, %dma_start3A, %dma_start3A_69] : memref<2x128x128xf32, #tpu.memory_space<vmem>> -> memref<1x128x128xf32, #tpu.memory_space<vmem>>
        %dma_start3A_71 = tpu.memref_squeeze %dma_start3A_70 : memref<1x128x128xf32, #tpu.memory_space<vmem>> -> memref<128x128xf32, #tpu.memory_space<vmem>>
        %dma_start3A_72 = arith.constant 0 : i32
        %dma_start3A_73 = tpu.memref_slice %arg8[%rem3A_28, %dma_start3A_72] : memref<2x128xi32, #tpu.memory_space<vmem>> -> memref<1x128xi32, #tpu.memory_space<vmem>>
        %dma_start3A_74 = tpu.memref_squeeze %dma_start3A_73 : memref<1x128xi32, #tpu.memory_space<vmem>> -> memref<128xi32, #tpu.memory_space<vmem>>
        %dma_start3A_75 = arith.constant 0 : i32
        %dma_start3A_76 = arith.constant 0 : i32
        %dma_start3A_77 = tpu.memref_slice %arg10[%dma_start3A_75, %dma_start3A_76] : memref<10240x128xf32, #tpu.memory_space<vmem_shared>> -> memref<10240x128xf32, #tpu.memory_space<vmem_shared>>
        tpu.enqueue_indirect_dma source(%dma_start3A_71 : memref<128x128xf32, #tpu.memory_space<vmem>>) target(%dma_start3A_77 : memref<10240x128xf32, #tpu.memory_space<vmem_shared>>) offsets(%dma_start3A_74 : memref<128xi32, #tpu.memory_space<vmem>>) semaphore(%run_scoped3A : memref<!tpu.dma_semaphore, #tpu.memory_space<semaphore_mem>>) {add = true}
        %dma_wait3A_78 = arith.constant 0 : i32
        %dma_wait3A_79 = arith.constant 0 : i32
        %dma_wait3A_80 = tpu.memref_slice %arg9[%rem3A_28, %dma_wait3A_78, %dma_wait3A_79] : memref<2x128x128xf32, #tpu.memory_space<vmem>> -> memref<1x128x128xf32, #tpu.memory_space<vmem>>
        %dma_wait3A_81 = tpu.memref_squeeze %dma_wait3A_80 : memref<1x128x128xf32, #tpu.memory_space<vmem>> -> memref<128x128xf32, #tpu.memory_space<vmem>>
        %dma_wait3A_82 = arith.constant 0 : i32
        %dma_wait3A_83 = tpu.memref_slice %arg8[%rem3A_28, %dma_wait3A_82] : memref<2x128xi32, #tpu.memory_space<vmem>> -> memref<1x128xi32, #tpu.memory_space<vmem>>
        %dma_wait3A_84 = tpu.memref_squeeze %dma_wait3A_83 : memref<1x128xi32, #tpu.memory_space<vmem>> -> memref<128xi32, #tpu.memory_space<vmem>>
        %dma_wait3A_85 = arith.constant 0 : i32
        %dma_wait3A_86 = arith.constant 0 : i32
        %dma_wait3A_87 = tpu.memref_slice %arg10[%dma_wait3A_85, %dma_wait3A_86] : memref<10240x128xf32, #tpu.memory_space<vmem_shared>> -> memref<10240x128xf32, #tpu.memory_space<vmem_shared>>
        tpu.wait_indirect_dma semaphore(%run_scoped3A : memref<!tpu.dma_semaphore, #tpu.memory_space<semaphore_mem>>) src(%dma_wait3A_81 : memref<128x128xf32, #tpu.memory_space<vmem>>) dst(%dma_wait3A_87 : memref<10240x128xf32, #tpu.memory_space<vmem_shared>>)
        tpu.yield
      }) : () -> ()
    }
    %barrier3A_22 = arith.constant 0 : index
    tpu.barrier barrier_id(%barrier3A_22)
    %mul3A_23 = arith.constant 640 : i32
    %mul3A_24 = arith.muli %arg1, %mul3A_23 : i32
    %mul3A_25 = arith.constant 640 : i32
    %mul3A_26 = arith.muli %arg1, %mul3A_25 : i32
    "tpu.region"() ({
      %run_scoped3A = tpu.sem_alloc : memref<!tpu.dma_semaphore, #tpu.memory_space<semaphore_mem>>
      %dma_start3A = arith.constant 0 : i32
      %dma_start3A_27 = tpu.memref_slice %arg6[%arg0, %mul3A_26, %dma_start3A] : memref<2x10240x128xf32, #tpu.memory_space<hbm>> -> memref<1x640x128xf32, #tpu.memory_space<hbm>>
      %dma_start3A_28 = tpu.memref_squeeze %dma_start3A_27 : memref<1x640x128xf32, #tpu.memory_space<hbm>> -> memref<640x128xf32, #tpu.memory_space<hbm>>
      %dma_start3A_29 = arith.constant 0 : i32
      %dma_start3A_30 = tpu.memref_slice %arg10[%mul3A_24, %dma_start3A_29] : memref<10240x128xf32, #tpu.memory_space<vmem_shared>> -> memref<640x128xf32, #tpu.memory_space<vmem_shared>>
      tpu.enqueue_dma source(%dma_start3A_30 : memref<640x128xf32, #tpu.memory_space<vmem_shared>>) target(%dma_start3A_28 : memref<640x128xf32, #tpu.memory_space<hbm>>) target_semaphore(%run_scoped3A : memref<!tpu.dma_semaphore, #tpu.memory_space<semaphore_mem>>)
      %dma_wait3A = arith.constant 0 : i32
      %dma_wait3A_31 = tpu.memref_slice %arg6[%arg0, %mul3A_26, %dma_wait3A] : memref<2x10240x128xf32, #tpu.memory_space<hbm>> -> memref<1x640x128xf32, #tpu.memory_space<hbm>>
      %dma_wait3A_32 = tpu.memref_squeeze %dma_wait3A_31 : memref<1x640x128xf32, #tpu.memory_space<hbm>> -> memref<640x128xf32, #tpu.memory_space<hbm>>
      %dma_wait3A_33 = arith.constant 0 : i32
      %dma_wait3A_34 = tpu.memref_slice %arg10[%mul3A_24, %dma_wait3A_33] : memref<10240x128xf32, #tpu.memory_space<vmem_shared>> -> memref<640x128xf32, #tpu.memory_space<vmem_shared>>
      tpu.wait_dma2 semaphore(%run_scoped3A : memref<!tpu.dma_semaphore, #tpu.memory_space<semaphore_mem>>) src(%dma_wait3A_34 : memref<640x128xf32, #tpu.memory_space<vmem_shared>>) dst(%dma_wait3A_32 : memref<640x128xf32, #tpu.memory_space<hbm>>)
      tpu.yield
    }) : () -> ()
    return
  }
}

#map = affine_map<(d0, d1) -> (0, 0)>
#map1 = affine_map<(d0, d1) -> (0, 0, 0)>
module attributes {stable_mosaic.version = 14 : i64} {
  func.func @_prop_body(%arg0: i32, %arg1: i32, %arg2: memref<10000x128xf32, #tpu.memory_space<hbm>>, %arg3: memref<1280x128xi32, #tpu.memory_space<hbm>>, %arg4: memref<1280x128xi32, #tpu.memory_space<hbm>>, %arg5: memref<640x128xf32, #tpu.memory_space<hbm>>, %arg6: memref<2x10240x128xf32, #tpu.memory_space<hbm>>, %arg7: memref<2x128xi32, #tpu.memory_space<vmem>>, %arg8: memref<2x128xi32, #tpu.memory_space<vmem>>, %arg9: memref<2x128x128xf32, #tpu.memory_space<vmem>>, %arg10: memref<10240x128xf32, #tpu.memory_space<vmem_shared>>, %arg11: memref<2x!tpu.dma_semaphore, #tpu.memory_space<semaphore_mem>>, %arg12: memref<2x2x!tpu.dma_semaphore, #tpu.memory_space<semaphore_mem>>) attributes {dimension_semantics = [#tpu.dimension_semantics<core_parallel>, #tpu.dimension_semantics<subcore_parallel>], iteration_bounds = array<i64: 2, 16>, scalar_prefetch = 0 : i64, scratch_operands = 6 : i64, tpu.core_type = #tpu.core_type<sc_vector_subcore>, window_params = [{transform_indices = #map}, {transform_indices = #map}, {transform_indices = #map}, {transform_indices = #map}, {transform_indices = #map1}]} {
    %eq3A = arith.constant 0 : i32
    %eq3A_0 = arith.cmpi eq, %arg0, %eq3A : i32
    %mul3A = arith.constant 65 : i32
    %mul3A_1 = arith.muli %arg1, %mul3A : i32
    %mul3A_2 = arith.constant 15 : i32
    %mul3A_3 = arith.muli %arg1, %mul3A_2 : i32
    %add3A = arith.constant 1040 : i32
    %add3A_4 = arith.addi %add3A, %mul3A_3 : i32
    %select_n3A = arith.select %eq3A_0, %mul3A_1, %add3A_4 : i32
    %eq3A_5 = arith.constant 0 : i32
    %eq3A_6 = arith.cmpi eq, %arg0, %eq3A_5 : i32
    %jit3A = arith.constant 65 : i32
    %jit3A_7 = arith.constant 15 : i32
    %select_n3A_8 = arith.select %eq3A_6, %jit3A, %jit3A_7 : i32
    %mul3A_9 = arith.constant 640 : i32
    %mul3A_10 = arith.muli %arg1, %mul3A_9 : i32
    "tpu.region"() ({
      %run_scoped3A = tpu.sem_alloc : memref<!tpu.dma_semaphore, #tpu.memory_space<semaphore_mem>>
      %dma_start3A = arith.constant 0 : i32
      %dma_start3A_27 = tpu.memref_slice %arg10[%mul3A_10, %dma_start3A] : memref<10240x128xf32, #tpu.memory_space<vmem_shared>> -> memref<640x128xf32, #tpu.memory_space<vmem_shared>>
      tpu.enqueue_dma source(%arg5 : memref<640x128xf32, #tpu.memory_space<hbm>>) target(%dma_start3A_27 : memref<640x128xf32, #tpu.memory_space<vmem_shared>>) target_semaphore(%run_scoped3A : memref<!tpu.dma_semaphore, #tpu.memory_space<semaphore_mem>>)
      %dma_wait3A = arith.constant 0 : i32
      %dma_wait3A_28 = tpu.memref_slice %arg10[%mul3A_10, %dma_wait3A] : memref<10240x128xf32, #tpu.memory_space<vmem_shared>> -> memref<640x128xf32, #tpu.memory_space<vmem_shared>>
      tpu.wait_dma2 semaphore(%run_scoped3A : memref<!tpu.dma_semaphore, #tpu.memory_space<semaphore_mem>>) src(%arg5 : memref<640x128xf32, #tpu.memory_space<hbm>>) dst(%dma_wait3A_28 : memref<640x128xf32, #tpu.memory_space<vmem_shared>>)
      tpu.yield
    }) : () -> ()
    %barrier3A = arith.constant 0 : index
    tpu.barrier barrier_id(%barrier3A)
    %gt3A = arith.constant 0 : i32
    %gt3A_11 = arith.cmpi sgt, %select_n3A_8, %gt3A : i32
    %convert_element_type3A = arith.extui %gt3A_11 : i1 to i32
    %cond3A = arith.constant 0 : i32
    %cond3A_12 = arith.cmpi ne, %convert_element_type3A, %cond3A : i32
    scf.if %cond3A_12 {
      %rem3A = arith.constant 0 : i32
      %rem3A_27 = arith.constant 2 : i32
      %rem3A_28 = arith.remsi %rem3A, %rem3A_27 : i32
      %add3A_29 = arith.constant 0 : i32
      %add3A_30 = arith.addi %select_n3A, %add3A_29 : i32
      %dma_start3A = arith.constant 0 : i32
      %dma_start3A_31 = arith.constant 0 : i32
      %dma_start3A_32 = tpu.memref_slice %arg7[%rem3A_28, %dma_start3A_31] : memref<2x128xi32, #tpu.memory_space<vmem>> -> memref<1x128xi32, #tpu.memory_space<vmem>>
      %dma_start3A_33 = tpu.memref_squeeze %dma_start3A_32 : memref<1x128xi32, #tpu.memory_space<vmem>> -> memref<128xi32, #tpu.memory_space<vmem>>
      %dma_start3A_34 = arith.constant 0 : i32
      %dma_start3A_35 = tpu.memref_slice %arg3[%add3A_30, %dma_start3A_34] : memref<1280x128xi32, #tpu.memory_space<hbm>> -> memref<1x128xi32, #tpu.memory_space<hbm>>
      %dma_start3A_36 = tpu.memref_squeeze %dma_start3A_35 : memref<1x128xi32, #tpu.memory_space<hbm>> -> memref<128xi32, #tpu.memory_space<hbm>>
      %dma_start3A_37 = tpu.memref_slice %arg12[%rem3A_28, %dma_start3A] : memref<2x2x!tpu.dma_semaphore, #tpu.memory_space<semaphore_mem>> -> memref<1x1x!tpu.dma_semaphore, #tpu.memory_space<semaphore_mem>>
      %dma_start3A_38 = tpu.memref_squeeze %dma_start3A_37 : memref<1x1x!tpu.dma_semaphore, #tpu.memory_space<semaphore_mem>> -> memref<!tpu.dma_semaphore, #tpu.memory_space<semaphore_mem>>
      %dma_start3A_39 = arith.constant 0 : i32
      %dma_start3A_40 = tpu.memref_slice %arg7[%rem3A_28, %dma_start3A_39] : memref<2x128xi32, #tpu.memory_space<vmem>> -> memref<1x128xi32, #tpu.memory_space<vmem>>
      %dma_start3A_41 = tpu.memref_squeeze %dma_start3A_40 : memref<1x128xi32, #tpu.memory_space<vmem>> -> memref<128xi32, #tpu.memory_space<vmem>>
      %dma_start3A_42 = arith.constant 0 : i32
      %dma_start3A_43 = tpu.memref_slice %arg3[%add3A_30, %dma_start3A_42] : memref<1280x128xi32, #tpu.memory_space<hbm>> -> memref<1x128xi32, #tpu.memory_space<hbm>>
      %dma_start3A_44 = tpu.memref_squeeze %dma_start3A_43 : memref<1x128xi32, #tpu.memory_space<hbm>> -> memref<128xi32, #tpu.memory_space<hbm>>
      tpu.enqueue_dma source(%dma_start3A_44 : memref<128xi32, #tpu.memory_space<hbm>>) target(%dma_start3A_41 : memref<128xi32, #tpu.memory_space<vmem>>) target_semaphore(%dma_start3A_38 : memref<!tpu.dma_semaphore, #tpu.memory_space<semaphore_mem>>)
      %add3A_45 = arith.constant 0 : i32
      %add3A_46 = arith.addi %select_n3A, %add3A_45 : i32
      %dma_start3A_47 = arith.constant 1 : i32
      %dma_start3A_48 = arith.constant 0 : i32
      %dma_start3A_49 = tpu.memref_slice %arg8[%rem3A_28, %dma_start3A_48] : memref<2x128xi32, #tpu.memory_space<vmem>> -> memref<1x128xi32, #tpu.memory_space<vmem>>
      %dma_start3A_50 = tpu.memref_squeeze %dma_start3A_49 : memref<1x128xi32, #tpu.memory_space<vmem>> -> memref<128xi32, #tpu.memory_space<vmem>>
      %dma_start3A_51 = arith.constant 0 : i32
      %dma_start3A_52 = tpu.memref_slice %arg4[%add3A_46, %dma_start3A_51] : memref<1280x128xi32, #tpu.memory_space<hbm>> -> memref<1x128xi32, #tpu.memory_space<hbm>>
      %dma_start3A_53 = tpu.memref_squeeze %dma_start3A_52 : memref<1x128xi32, #tpu.memory_space<hbm>> -> memref<128xi32, #tpu.memory_space<hbm>>
      %dma_start3A_54 = tpu.memref_slice %arg12[%rem3A_28, %dma_start3A_47] : memref<2x2x!tpu.dma_semaphore, #tpu.memory_space<semaphore_mem>> -> memref<1x1x!tpu.dma_semaphore, #tpu.memory_space<semaphore_mem>>
      %dma_start3A_55 = tpu.memref_squeeze %dma_start3A_54 : memref<1x1x!tpu.dma_semaphore, #tpu.memory_space<semaphore_mem>> -> memref<!tpu.dma_semaphore, #tpu.memory_space<semaphore_mem>>
      %dma_start3A_56 = arith.constant 0 : i32
      %dma_start3A_57 = tpu.memref_slice %arg8[%rem3A_28, %dma_start3A_56] : memref<2x128xi32, #tpu.memory_space<vmem>> -> memref<1x128xi32, #tpu.memory_space<vmem>>
      %dma_start3A_58 = tpu.memref_squeeze %dma_start3A_57 : memref<1x128xi32, #tpu.memory_space<vmem>> -> memref<128xi32, #tpu.memory_space<vmem>>
      %dma_start3A_59 = arith.constant 0 : i32
      %dma_start3A_60 = tpu.memref_slice %arg4[%add3A_46, %dma_start3A_59] : memref<1280x128xi32, #tpu.memory_space<hbm>> -> memref<1x128xi32, #tpu.memory_space<hbm>>
      %dma_start3A_61 = tpu.memref_squeeze %dma_start3A_60 : memref<1x128xi32, #tpu.memory_space<hbm>> -> memref<128xi32, #tpu.memory_space<hbm>>
      tpu.enqueue_dma source(%dma_start3A_61 : memref<128xi32, #tpu.memory_space<hbm>>) target(%dma_start3A_58 : memref<128xi32, #tpu.memory_space<vmem>>) target_semaphore(%dma_start3A_55 : memref<!tpu.dma_semaphore, #tpu.memory_space<semaphore_mem>>)
    } else {
    }
    %while3A = arith.constant 0 : i32
    %while3A_13 = arith.constant 0 : i32
    %while3A_14 = arith.subi %select_n3A_8, %while3A_13 : i32
    %while3A_15 = arith.addi %while3A_13, %while3A_14 : i32
    %while3A_16 = arith.constant 1 : i32
    %while3A_17 = arith.divsi %while3A_14, %while3A_16 : i32
    %while3A_18 = arith.muli %while3A_17, %while3A_16 : i32
    %while3A_19 = arith.addi %while3A_13, %while3A_18 : i32
    %while3A_20 = arith.constant 1 : i32
    scf.for %while3A_27 = %while3A_13 to %while3A_19 step %while3A_20  : i32 {
      %rem3A = arith.constant 2 : i32
      %rem3A_28 = arith.remsi %while3A_27, %rem3A : i32
      %add3A_29 = arith.constant 2 : i32
      %add3A_30 = arith.addi %while3A_27, %add3A_29 : i32
      %sub3A = arith.constant 1 : i32
      %sub3A_31 = arith.subi %add3A_30, %sub3A : i32
      %add3A_32 = arith.constant 2 : i32
      %add3A_33 = arith.addi %while3A_27, %add3A_32 : i32
      %sub3A_34 = arith.constant 2 : i32
      %sub3A_35 = arith.subi %add3A_33, %sub3A_34 : i32
      %lt3A = arith.cmpi slt, %sub3A_31, %select_n3A_8 : i32
      %convert_element_type3A_36 = arith.extui %lt3A : i1 to i32
      %cond3A_37 = arith.constant 0 : i32
      %cond3A_38 = arith.cmpi ne, %convert_element_type3A_36, %cond3A_37 : i32
      scf.if %cond3A_38 {
        %rem3A_69 = arith.constant 2 : i32
        %rem3A_70 = arith.remsi %sub3A_31, %rem3A_69 : i32
        %add3A_71 = arith.addi %select_n3A, %sub3A_31 : i32
        %dma_start3A = arith.constant 0 : i32
        %dma_start3A_72 = arith.constant 0 : i32
        %dma_start3A_73 = tpu.memref_slice %arg7[%rem3A_70, %dma_start3A_72] : memref<2x128xi32, #tpu.memory_space<vmem>> -> memref<1x128xi32, #tpu.memory_space<vmem>>
        %dma_start3A_74 = tpu.memref_squeeze %dma_start3A_73 : memref<1x128xi32, #tpu.memory_space<vmem>> -> memref<128xi32, #tpu.memory_space<vmem>>
        %dma_start3A_75 = arith.constant 0 : i32
        %dma_start3A_76 = tpu.memref_slice %arg3[%add3A_71, %dma_start3A_75] : memref<1280x128xi32, #tpu.memory_space<hbm>> -> memref<1x128xi32, #tpu.memory_space<hbm>>
        %dma_start3A_77 = tpu.memref_squeeze %dma_start3A_76 : memref<1x128xi32, #tpu.memory_space<hbm>> -> memref<128xi32, #tpu.memory_space<hbm>>
        %dma_start3A_78 = tpu.memref_slice %arg12[%rem3A_70, %dma_start3A] : memref<2x2x!tpu.dma_semaphore, #tpu.memory_space<semaphore_mem>> -> memref<1x1x!tpu.dma_semaphore, #tpu.memory_space<semaphore_mem>>
        %dma_start3A_79 = tpu.memref_squeeze %dma_start3A_78 : memref<1x1x!tpu.dma_semaphore, #tpu.memory_space<semaphore_mem>> -> memref<!tpu.dma_semaphore, #tpu.memory_space<semaphore_mem>>
        %dma_start3A_80 = arith.constant 0 : i32
        %dma_start3A_81 = tpu.memref_slice %arg7[%rem3A_70, %dma_start3A_80] : memref<2x128xi32, #tpu.memory_space<vmem>> -> memref<1x128xi32, #tpu.memory_space<vmem>>
        %dma_start3A_82 = tpu.memref_squeeze %dma_start3A_81 : memref<1x128xi32, #tpu.memory_space<vmem>> -> memref<128xi32, #tpu.memory_space<vmem>>
        %dma_start3A_83 = arith.constant 0 : i32
        %dma_start3A_84 = tpu.memref_slice %arg3[%add3A_71, %dma_start3A_83] : memref<1280x128xi32, #tpu.memory_space<hbm>> -> memref<1x128xi32, #tpu.memory_space<hbm>>
        %dma_start3A_85 = tpu.memref_squeeze %dma_start3A_84 : memref<1x128xi32, #tpu.memory_space<hbm>> -> memref<128xi32, #tpu.memory_space<hbm>>
        tpu.enqueue_dma source(%dma_start3A_85 : memref<128xi32, #tpu.memory_space<hbm>>) target(%dma_start3A_82 : memref<128xi32, #tpu.memory_space<vmem>>) target_semaphore(%dma_start3A_79 : memref<!tpu.dma_semaphore, #tpu.memory_space<semaphore_mem>>)
        %add3A_86 = arith.addi %select_n3A, %sub3A_31 : i32
        %dma_start3A_87 = arith.constant 1 : i32
        %dma_start3A_88 = arith.constant 0 : i32
        %dma_start3A_89 = tpu.memref_slice %arg8[%rem3A_70, %dma_start3A_88] : memref<2x128xi32, #tpu.memory_space<vmem>> -> memref<1x128xi32, #tpu.memory_space<vmem>>
        %dma_start3A_90 = tpu.memref_squeeze %dma_start3A_89 : memref<1x128xi32, #tpu.memory_space<vmem>> -> memref<128xi32, #tpu.memory_space<vmem>>
        %dma_start3A_91 = arith.constant 0 : i32
        %dma_start3A_92 = tpu.memref_slice %arg4[%add3A_86, %dma_start3A_91] : memref<1280x128xi32, #tpu.memory_space<hbm>> -> memref<1x128xi32, #tpu.memory_space<hbm>>
        %dma_start3A_93 = tpu.memref_squeeze %dma_start3A_92 : memref<1x128xi32, #tpu.memory_space<hbm>> -> memref<128xi32, #tpu.memory_space<hbm>>
        %dma_start3A_94 = tpu.memref_slice %arg12[%rem3A_70, %dma_start3A_87] : memref<2x2x!tpu.dma_semaphore, #tpu.memory_space<semaphore_mem>> -> memref<1x1x!tpu.dma_semaphore, #tpu.memory_space<semaphore_mem>>
        %dma_start3A_95 = tpu.memref_squeeze %dma_start3A_94 : memref<1x1x!tpu.dma_semaphore, #tpu.memory_space<semaphore_mem>> -> memref<!tpu.dma_semaphore, #tpu.memory_space<semaphore_mem>>
        %dma_start3A_96 = arith.constant 0 : i32
        %dma_start3A_97 = tpu.memref_slice %arg8[%rem3A_70, %dma_start3A_96] : memref<2x128xi32, #tpu.memory_space<vmem>> -> memref<1x128xi32, #tpu.memory_space<vmem>>
        %dma_start3A_98 = tpu.memref_squeeze %dma_start3A_97 : memref<1x128xi32, #tpu.memory_space<vmem>> -> memref<128xi32, #tpu.memory_space<vmem>>
        %dma_start3A_99 = arith.constant 0 : i32
        %dma_start3A_100 = tpu.memref_slice %arg4[%add3A_86, %dma_start3A_99] : memref<1280x128xi32, #tpu.memory_space<hbm>> -> memref<1x128xi32, #tpu.memory_space<hbm>>
        %dma_start3A_101 = tpu.memref_squeeze %dma_start3A_100 : memref<1x128xi32, #tpu.memory_space<hbm>> -> memref<128xi32, #tpu.memory_space<hbm>>
        tpu.enqueue_dma source(%dma_start3A_101 : memref<128xi32, #tpu.memory_space<hbm>>) target(%dma_start3A_98 : memref<128xi32, #tpu.memory_space<vmem>>) target_semaphore(%dma_start3A_95 : memref<!tpu.dma_semaphore, #tpu.memory_space<semaphore_mem>>)
      } else {
      }
      %lt3A_39 = arith.cmpi slt, %sub3A_35, %select_n3A_8 : i32
      %convert_element_type3A_40 = arith.extui %lt3A_39 : i1 to i32
      %cond3A_41 = arith.constant 0 : i32
      %cond3A_42 = arith.cmpi ne, %convert_element_type3A_40, %cond3A_41 : i32
      scf.if %cond3A_42 {
        %rem3A_69 = arith.constant 2 : i32
        %rem3A_70 = arith.remsi %sub3A_35, %rem3A_69 : i32
        %add3A_71 = arith.addi %select_n3A, %sub3A_35 : i32
        %dma_wait3A_72 = arith.constant 0 : i32
        %dma_wait3A_73 = arith.constant 0 : i32
        %dma_wait3A_74 = tpu.memref_slice %arg7[%rem3A_70, %dma_wait3A_73] : memref<2x128xi32, #tpu.memory_space<vmem>> -> memref<1x128xi32, #tpu.memory_space<vmem>>
        %dma_wait3A_75 = tpu.memref_squeeze %dma_wait3A_74 : memref<1x128xi32, #tpu.memory_space<vmem>> -> memref<128xi32, #tpu.memory_space<vmem>>
        %dma_wait3A_76 = arith.constant 0 : i32
        %dma_wait3A_77 = tpu.memref_slice %arg3[%add3A_71, %dma_wait3A_76] : memref<1280x128xi32, #tpu.memory_space<hbm>> -> memref<1x128xi32, #tpu.memory_space<hbm>>
        %dma_wait3A_78 = tpu.memref_squeeze %dma_wait3A_77 : memref<1x128xi32, #tpu.memory_space<hbm>> -> memref<128xi32, #tpu.memory_space<hbm>>
        %dma_wait3A_79 = tpu.memref_slice %arg12[%rem3A_70, %dma_wait3A_72] : memref<2x2x!tpu.dma_semaphore, #tpu.memory_space<semaphore_mem>> -> memref<1x1x!tpu.dma_semaphore, #tpu.memory_space<semaphore_mem>>
        %dma_wait3A_80 = tpu.memref_squeeze %dma_wait3A_79 : memref<1x1x!tpu.dma_semaphore, #tpu.memory_space<semaphore_mem>> -> memref<!tpu.dma_semaphore, #tpu.memory_space<semaphore_mem>>
        %dma_wait3A_81 = arith.constant 0 : i32
        %dma_wait3A_82 = tpu.memref_slice %arg7[%rem3A_70, %dma_wait3A_81] : memref<2x128xi32, #tpu.memory_space<vmem>> -> memref<1x128xi32, #tpu.memory_space<vmem>>
        %dma_wait3A_83 = tpu.memref_squeeze %dma_wait3A_82 : memref<1x128xi32, #tpu.memory_space<vmem>> -> memref<128xi32, #tpu.memory_space<vmem>>
        %dma_wait3A_84 = arith.constant 0 : i32
        %dma_wait3A_85 = tpu.memref_slice %arg3[%add3A_71, %dma_wait3A_84] : memref<1280x128xi32, #tpu.memory_space<hbm>> -> memref<1x128xi32, #tpu.memory_space<hbm>>
        %dma_wait3A_86 = tpu.memref_squeeze %dma_wait3A_85 : memref<1x128xi32, #tpu.memory_space<hbm>> -> memref<128xi32, #tpu.memory_space<hbm>>
        tpu.wait_dma2 semaphore(%dma_wait3A_80 : memref<!tpu.dma_semaphore, #tpu.memory_space<semaphore_mem>>) src(%dma_wait3A_86 : memref<128xi32, #tpu.memory_space<hbm>>) dst(%dma_wait3A_83 : memref<128xi32, #tpu.memory_space<vmem>>)
        %dma_start3A = arith.constant 0 : i32
        %dma_start3A_87 = arith.constant 0 : i32
        %dma_start3A_88 = tpu.memref_slice %arg9[%rem3A_70, %dma_start3A, %dma_start3A_87] : memref<2x128x128xf32, #tpu.memory_space<vmem>> -> memref<1x128x128xf32, #tpu.memory_space<vmem>>
        %dma_start3A_89 = tpu.memref_squeeze %dma_start3A_88 : memref<1x128x128xf32, #tpu.memory_space<vmem>> -> memref<128x128xf32, #tpu.memory_space<vmem>>
        %dma_start3A_90 = arith.constant 0 : i32
        %dma_start3A_91 = tpu.memref_slice %arg7[%rem3A_70, %dma_start3A_90] : memref<2x128xi32, #tpu.memory_space<vmem>> -> memref<1x128xi32, #tpu.memory_space<vmem>>
        %dma_start3A_92 = tpu.memref_squeeze %dma_start3A_91 : memref<1x128xi32, #tpu.memory_space<vmem>> -> memref<128xi32, #tpu.memory_space<vmem>>
        %dma_start3A_93 = arith.constant 0 : i32
        %dma_start3A_94 = arith.constant 0 : i32
        %dma_start3A_95 = tpu.memref_slice %arg2[%dma_start3A_93, %dma_start3A_94] : memref<10000x128xf32, #tpu.memory_space<hbm>> -> memref<10000x128xf32, #tpu.memory_space<hbm>>
        %dma_start3A_96 = tpu.memref_slice %arg11[%rem3A_70] : memref<2x!tpu.dma_semaphore, #tpu.memory_space<semaphore_mem>> -> memref<1x!tpu.dma_semaphore, #tpu.memory_space<semaphore_mem>>
        %dma_start3A_97 = tpu.memref_squeeze %dma_start3A_96 : memref<1x!tpu.dma_semaphore, #tpu.memory_space<semaphore_mem>> -> memref<!tpu.dma_semaphore, #tpu.memory_space<semaphore_mem>>
        tpu.enqueue_indirect_dma source(%dma_start3A_95 : memref<10000x128xf32, #tpu.memory_space<hbm>>) target(%dma_start3A_89 : memref<128x128xf32, #tpu.memory_space<vmem>>) offsets(%dma_start3A_92 : memref<128xi32, #tpu.memory_space<vmem>>) semaphore(%dma_start3A_97 : memref<!tpu.dma_semaphore, #tpu.memory_space<semaphore_mem>>)
      } else {
      }
      %dma_wait3A = arith.constant 0 : i32
      %dma_wait3A_43 = arith.constant 0 : i32
      %dma_wait3A_44 = tpu.memref_slice %arg9[%rem3A_28, %dma_wait3A, %dma_wait3A_43] : memref<2x128x128xf32, #tpu.memory_space<vmem>> -> memref<1x128x128xf32, #tpu.memory_space<vmem>>
      %dma_wait3A_45 = tpu.memref_squeeze %dma_wait3A_44 : memref<1x128x128xf32, #tpu.memory_space<vmem>> -> memref<128x128xf32, #tpu.memory_space<vmem>>
      %dma_wait3A_46 = arith.constant 0 : i32
      %dma_wait3A_47 = tpu.memref_slice %arg7[%rem3A_28, %dma_wait3A_46] : memref<2x128xi32, #tpu.memory_space<vmem>> -> memref<1x128xi32, #tpu.memory_space<vmem>>
      %dma_wait3A_48 = tpu.memref_squeeze %dma_wait3A_47 : memref<1x128xi32, #tpu.memory_space<vmem>> -> memref<128xi32, #tpu.memory_space<vmem>>
      %dma_wait3A_49 = arith.constant 0 : i32
      %dma_wait3A_50 = arith.constant 0 : i32
      %dma_wait3A_51 = tpu.memref_slice %arg2[%dma_wait3A_49, %dma_wait3A_50] : memref<10000x128xf32, #tpu.memory_space<hbm>> -> memref<10000x128xf32, #tpu.memory_space<hbm>>
      %dma_wait3A_52 = tpu.memref_slice %arg11[%rem3A_28] : memref<2x!tpu.dma_semaphore, #tpu.memory_space<semaphore_mem>> -> memref<1x!tpu.dma_semaphore, #tpu.memory_space<semaphore_mem>>
      %dma_wait3A_53 = tpu.memref_squeeze %dma_wait3A_52 : memref<1x!tpu.dma_semaphore, #tpu.memory_space<semaphore_mem>> -> memref<!tpu.dma_semaphore, #tpu.memory_space<semaphore_mem>>
      tpu.wait_indirect_dma semaphore(%dma_wait3A_53 : memref<!tpu.dma_semaphore, #tpu.memory_space<semaphore_mem>>) src(%dma_wait3A_51 : memref<10000x128xf32, #tpu.memory_space<hbm>>) dst(%dma_wait3A_45 : memref<128x128xf32, #tpu.memory_space<vmem>>)
      %dma_wait3A_54 = arith.constant 1 : i32
      %dma_wait3A_55 = arith.constant 0 : i32
      %dma_wait3A_56 = tpu.memref_slice %arg8[%rem3A_28, %dma_wait3A_55] : memref<2x128xi32, #tpu.memory_space<vmem>> -> memref<1x128xi32, #tpu.memory_space<vmem>>
      %dma_wait3A_57 = tpu.memref_squeeze %dma_wait3A_56 : memref<1x128xi32, #tpu.memory_space<vmem>> -> memref<128xi32, #tpu.memory_space<vmem>>
      %dma_wait3A_58 = arith.constant 0 : i32
      %dma_wait3A_59 = tpu.memref_slice %arg4[%select_n3A, %dma_wait3A_58] : memref<1280x128xi32, #tpu.memory_space<hbm>> -> memref<1x128xi32, #tpu.memory_space<hbm>>
      %dma_wait3A_60 = tpu.memref_squeeze %dma_wait3A_59 : memref<1x128xi32, #tpu.memory_space<hbm>> -> memref<128xi32, #tpu.memory_space<hbm>>
      %dma_wait3A_61 = tpu.memref_slice %arg12[%rem3A_28, %dma_wait3A_54] : memref<2x2x!tpu.dma_semaphore, #tpu.memory_space<semaphore_mem>> -> memref<1x1x!tpu.dma_semaphore, #tpu.memory_space<semaphore_mem>>
      %dma_wait3A_62 = tpu.memref_squeeze %dma_wait3A_61 : memref<1x1x!tpu.dma_semaphore, #tpu.memory_space<semaphore_mem>> -> memref<!tpu.dma_semaphore, #tpu.memory_space<semaphore_mem>>
      %dma_wait3A_63 = arith.constant 0 : i32
      %dma_wait3A_64 = tpu.memref_slice %arg8[%rem3A_28, %dma_wait3A_63] : memref<2x128xi32, #tpu.memory_space<vmem>> -> memref<1x128xi32, #tpu.memory_space<vmem>>
      %dma_wait3A_65 = tpu.memref_squeeze %dma_wait3A_64 : memref<1x128xi32, #tpu.memory_space<vmem>> -> memref<128xi32, #tpu.memory_space<vmem>>
      %dma_wait3A_66 = arith.constant 0 : i32
      %dma_wait3A_67 = tpu.memref_slice %arg4[%select_n3A, %dma_wait3A_66] : memref<1280x128xi32, #tpu.memory_space<hbm>> -> memref<1x128xi32, #tpu.memory_space<hbm>>
      %dma_wait3A_68 = tpu.memref_squeeze %dma_wait3A_67 : memref<1x128xi32, #tpu.memory_space<hbm>> -> memref<128xi32, #tpu.memory_space<hbm>>
      tpu.wait_dma2 semaphore(%dma_wait3A_62 : memref<!tpu.dma_semaphore, #tpu.memory_space<semaphore_mem>>) src(%dma_wait3A_68 : memref<128xi32, #tpu.memory_space<hbm>>) dst(%dma_wait3A_65 : memref<128xi32, #tpu.memory_space<vmem>>)
      "tpu.region"() ({
        %run_scoped3A = tpu.sem_alloc : memref<!tpu.dma_semaphore, #tpu.memory_space<semaphore_mem>>
        %dma_start3A = arith.constant 0 : i32
        %dma_start3A_69 = arith.constant 0 : i32
        %dma_start3A_70 = tpu.memref_slice %arg9[%rem3A_28, %dma_start3A, %dma_start3A_69] : memref<2x128x128xf32, #tpu.memory_space<vmem>> -> memref<1x128x128xf32, #tpu.memory_space<vmem>>
        %dma_start3A_71 = tpu.memref_squeeze %dma_start3A_70 : memref<1x128x128xf32, #tpu.memory_space<vmem>> -> memref<128x128xf32, #tpu.memory_space<vmem>>
        %dma_start3A_72 = arith.constant 0 : i32
        %dma_start3A_73 = tpu.memref_slice %arg8[%rem3A_28, %dma_start3A_72] : memref<2x128xi32, #tpu.memory_space<vmem>> -> memref<1x128xi32, #tpu.memory_space<vmem>>
        %dma_start3A_74 = tpu.memref_squeeze %dma_start3A_73 : memref<1x128xi32, #tpu.memory_space<vmem>> -> memref<128xi32, #tpu.memory_space<vmem>>
        %dma_start3A_75 = arith.constant 0 : i32
        %dma_start3A_76 = arith.constant 0 : i32
        %dma_start3A_77 = tpu.memref_slice %arg10[%dma_start3A_75, %dma_start3A_76] : memref<10240x128xf32, #tpu.memory_space<vmem_shared>> -> memref<10240x128xf32, #tpu.memory_space<vmem_shared>>
        tpu.enqueue_indirect_dma source(%dma_start3A_71 : memref<128x128xf32, #tpu.memory_space<vmem>>) target(%dma_start3A_77 : memref<10240x128xf32, #tpu.memory_space<vmem_shared>>) offsets(%dma_start3A_74 : memref<128xi32, #tpu.memory_space<vmem>>) semaphore(%run_scoped3A : memref<!tpu.dma_semaphore, #tpu.memory_space<semaphore_mem>>) {add = true}
        %dma_wait3A_78 = arith.constant 0 : i32
        %dma_wait3A_79 = arith.constant 0 : i32
        %dma_wait3A_80 = tpu.memref_slice %arg9[%rem3A_28, %dma_wait3A_78, %dma_wait3A_79] : memref<2x128x128xf32, #tpu.memory_space<vmem>> -> memref<1x128x128xf32, #tpu.memory_space<vmem>>
        %dma_wait3A_81 = tpu.memref_squeeze %dma_wait3A_80 : memref<1x128x128xf32, #tpu.memory_space<vmem>> -> memref<128x128xf32, #tpu.memory_space<vmem>>
        %dma_wait3A_82 = arith.constant 0 : i32
        %dma_wait3A_83 = tpu.memref_slice %arg8[%rem3A_28, %dma_wait3A_82] : memref<2x128xi32, #tpu.memory_space<vmem>> -> memref<1x128xi32, #tpu.memory_space<vmem>>
        %dma_wait3A_84 = tpu.memref_squeeze %dma_wait3A_83 : memref<1x128xi32, #tpu.memory_space<vmem>> -> memref<128xi32, #tpu.memory_space<vmem>>
        %dma_wait3A_85 = arith.constant 0 : i32
        %dma_wait3A_86 = arith.constant 0 : i32
        %dma_wait3A_87 = tpu.memref_slice %arg10[%dma_wait3A_85, %dma_wait3A_86] : memref<10240x128xf32, #tpu.memory_space<vmem_shared>> -> memref<10240x128xf32, #tpu.memory_space<vmem_shared>>
        tpu.wait_indirect_dma semaphore(%run_scoped3A : memref<!tpu.dma_semaphore, #tpu.memory_space<semaphore_mem>>) src(%dma_wait3A_81 : memref<128x128xf32, #tpu.memory_space<vmem>>) dst(%dma_wait3A_87 : memref<10240x128xf32, #tpu.memory_space<vmem_shared>>)
        tpu.yield
      }) : () -> ()
    }
    %while3A_21 = arith.constant 1 : i32
    scf.for %while3A_27 = %while3A_19 to %while3A_15 step %while3A_21  : i32 {
      %rem3A = arith.constant 2 : i32
      %rem3A_28 = arith.remsi %while3A_27, %rem3A : i32
      %add3A_29 = arith.constant 2 : i32
      %add3A_30 = arith.addi %while3A_27, %add3A_29 : i32
      %sub3A = arith.constant 1 : i32
      %sub3A_31 = arith.subi %add3A_30, %sub3A : i32
      %add3A_32 = arith.constant 2 : i32
      %add3A_33 = arith.addi %while3A_27, %add3A_32 : i32
      %sub3A_34 = arith.constant 2 : i32
      %sub3A_35 = arith.subi %add3A_33, %sub3A_34 : i32
      %lt3A = arith.cmpi slt, %sub3A_31, %select_n3A_8 : i32
      %convert_element_type3A_36 = arith.extui %lt3A : i1 to i32
      %cond3A_37 = arith.constant 0 : i32
      %cond3A_38 = arith.cmpi ne, %convert_element_type3A_36, %cond3A_37 : i32
      scf.if %cond3A_38 {
        %rem3A_69 = arith.constant 2 : i32
        %rem3A_70 = arith.remsi %sub3A_31, %rem3A_69 : i32
        %add3A_71 = arith.addi %select_n3A, %sub3A_31 : i32
        %dma_start3A = arith.constant 0 : i32
        %dma_start3A_72 = arith.constant 0 : i32
        %dma_start3A_73 = tpu.memref_slice %arg7[%rem3A_70, %dma_start3A_72] : memref<2x128xi32, #tpu.memory_space<vmem>> -> memref<1x128xi32, #tpu.memory_space<vmem>>
        %dma_start3A_74 = tpu.memref_squeeze %dma_start3A_73 : memref<1x128xi32, #tpu.memory_space<vmem>> -> memref<128xi32, #tpu.memory_space<vmem>>
        %dma_start3A_75 = arith.constant 0 : i32
        %dma_start3A_76 = tpu.memref_slice %arg3[%add3A_71, %dma_start3A_75] : memref<1280x128xi32, #tpu.memory_space<hbm>> -> memref<1x128xi32, #tpu.memory_space<hbm>>
        %dma_start3A_77 = tpu.memref_squeeze %dma_start3A_76 : memref<1x128xi32, #tpu.memory_space<hbm>> -> memref<128xi32, #tpu.memory_space<hbm>>
        %dma_start3A_78 = tpu.memref_slice %arg12[%rem3A_70, %dma_start3A] : memref<2x2x!tpu.dma_semaphore, #tpu.memory_space<semaphore_mem>> -> memref<1x1x!tpu.dma_semaphore, #tpu.memory_space<semaphore_mem>>
        %dma_start3A_79 = tpu.memref_squeeze %dma_start3A_78 : memref<1x1x!tpu.dma_semaphore, #tpu.memory_space<semaphore_mem>> -> memref<!tpu.dma_semaphore, #tpu.memory_space<semaphore_mem>>
        %dma_start3A_80 = arith.constant 0 : i32
        %dma_start3A_81 = tpu.memref_slice %arg7[%rem3A_70, %dma_start3A_80] : memref<2x128xi32, #tpu.memory_space<vmem>> -> memref<1x128xi32, #tpu.memory_space<vmem>>
        %dma_start3A_82 = tpu.memref_squeeze %dma_start3A_81 : memref<1x128xi32, #tpu.memory_space<vmem>> -> memref<128xi32, #tpu.memory_space<vmem>>
        %dma_start3A_83 = arith.constant 0 : i32
        %dma_start3A_84 = tpu.memref_slice %arg3[%add3A_71, %dma_start3A_83] : memref<1280x128xi32, #tpu.memory_space<hbm>> -> memref<1x128xi32, #tpu.memory_space<hbm>>
        %dma_start3A_85 = tpu.memref_squeeze %dma_start3A_84 : memref<1x128xi32, #tpu.memory_space<hbm>> -> memref<128xi32, #tpu.memory_space<hbm>>
        tpu.enqueue_dma source(%dma_start3A_85 : memref<128xi32, #tpu.memory_space<hbm>>) target(%dma_start3A_82 : memref<128xi32, #tpu.memory_space<vmem>>) target_semaphore(%dma_start3A_79 : memref<!tpu.dma_semaphore, #tpu.memory_space<semaphore_mem>>)
        %add3A_86 = arith.addi %select_n3A, %sub3A_31 : i32
        %dma_start3A_87 = arith.constant 1 : i32
        %dma_start3A_88 = arith.constant 0 : i32
        %dma_start3A_89 = tpu.memref_slice %arg8[%rem3A_70, %dma_start3A_88] : memref<2x128xi32, #tpu.memory_space<vmem>> -> memref<1x128xi32, #tpu.memory_space<vmem>>
        %dma_start3A_90 = tpu.memref_squeeze %dma_start3A_89 : memref<1x128xi32, #tpu.memory_space<vmem>> -> memref<128xi32, #tpu.memory_space<vmem>>
        %dma_start3A_91 = arith.constant 0 : i32
        %dma_start3A_92 = tpu.memref_slice %arg4[%add3A_86, %dma_start3A_91] : memref<1280x128xi32, #tpu.memory_space<hbm>> -> memref<1x128xi32, #tpu.memory_space<hbm>>
        %dma_start3A_93 = tpu.memref_squeeze %dma_start3A_92 : memref<1x128xi32, #tpu.memory_space<hbm>> -> memref<128xi32, #tpu.memory_space<hbm>>
        %dma_start3A_94 = tpu.memref_slice %arg12[%rem3A_70, %dma_start3A_87] : memref<2x2x!tpu.dma_semaphore, #tpu.memory_space<semaphore_mem>> -> memref<1x1x!tpu.dma_semaphore, #tpu.memory_space<semaphore_mem>>
        %dma_start3A_95 = tpu.memref_squeeze %dma_start3A_94 : memref<1x1x!tpu.dma_semaphore, #tpu.memory_space<semaphore_mem>> -> memref<!tpu.dma_semaphore, #tpu.memory_space<semaphore_mem>>
        %dma_start3A_96 = arith.constant 0 : i32
        %dma_start3A_97 = tpu.memref_slice %arg8[%rem3A_70, %dma_start3A_96] : memref<2x128xi32, #tpu.memory_space<vmem>> -> memref<1x128xi32, #tpu.memory_space<vmem>>
        %dma_start3A_98 = tpu.memref_squeeze %dma_start3A_97 : memref<1x128xi32, #tpu.memory_space<vmem>> -> memref<128xi32, #tpu.memory_space<vmem>>
        %dma_start3A_99 = arith.constant 0 : i32
        %dma_start3A_100 = tpu.memref_slice %arg4[%add3A_86, %dma_start3A_99] : memref<1280x128xi32, #tpu.memory_space<hbm>> -> memref<1x128xi32, #tpu.memory_space<hbm>>
        %dma_start3A_101 = tpu.memref_squeeze %dma_start3A_100 : memref<1x128xi32, #tpu.memory_space<hbm>> -> memref<128xi32, #tpu.memory_space<hbm>>
        tpu.enqueue_dma source(%dma_start3A_101 : memref<128xi32, #tpu.memory_space<hbm>>) target(%dma_start3A_98 : memref<128xi32, #tpu.memory_space<vmem>>) target_semaphore(%dma_start3A_95 : memref<!tpu.dma_semaphore, #tpu.memory_space<semaphore_mem>>)
      } else {
      }
      %lt3A_39 = arith.cmpi slt, %sub3A_35, %select_n3A_8 : i32
      %convert_element_type3A_40 = arith.extui %lt3A_39 : i1 to i32
      %cond3A_41 = arith.constant 0 : i32
      %cond3A_42 = arith.cmpi ne, %convert_element_type3A_40, %cond3A_41 : i32
      scf.if %cond3A_42 {
        %rem3A_69 = arith.constant 2 : i32
        %rem3A_70 = arith.remsi %sub3A_35, %rem3A_69 : i32
        %add3A_71 = arith.addi %select_n3A, %sub3A_35 : i32
        %dma_wait3A_72 = arith.constant 0 : i32
        %dma_wait3A_73 = arith.constant 0 : i32
        %dma_wait3A_74 = tpu.memref_slice %arg7[%rem3A_70, %dma_wait3A_73] : memref<2x128xi32, #tpu.memory_space<vmem>> -> memref<1x128xi32, #tpu.memory_space<vmem>>
        %dma_wait3A_75 = tpu.memref_squeeze %dma_wait3A_74 : memref<1x128xi32, #tpu.memory_space<vmem>> -> memref<128xi32, #tpu.memory_space<vmem>>
        %dma_wait3A_76 = arith.constant 0 : i32
        %dma_wait3A_77 = tpu.memref_slice %arg3[%add3A_71, %dma_wait3A_76] : memref<1280x128xi32, #tpu.memory_space<hbm>> -> memref<1x128xi32, #tpu.memory_space<hbm>>
        %dma_wait3A_78 = tpu.memref_squeeze %dma_wait3A_77 : memref<1x128xi32, #tpu.memory_space<hbm>> -> memref<128xi32, #tpu.memory_space<hbm>>
        %dma_wait3A_79 = tpu.memref_slice %arg12[%rem3A_70, %dma_wait3A_72] : memref<2x2x!tpu.dma_semaphore, #tpu.memory_space<semaphore_mem>> -> memref<1x1x!tpu.dma_semaphore, #tpu.memory_space<semaphore_mem>>
        %dma_wait3A_80 = tpu.memref_squeeze %dma_wait3A_79 : memref<1x1x!tpu.dma_semaphore, #tpu.memory_space<semaphore_mem>> -> memref<!tpu.dma_semaphore, #tpu.memory_space<semaphore_mem>>
        %dma_wait3A_81 = arith.constant 0 : i32
        %dma_wait3A_82 = tpu.memref_slice %arg7[%rem3A_70, %dma_wait3A_81] : memref<2x128xi32, #tpu.memory_space<vmem>> -> memref<1x128xi32, #tpu.memory_space<vmem>>
        %dma_wait3A_83 = tpu.memref_squeeze %dma_wait3A_82 : memref<1x128xi32, #tpu.memory_space<vmem>> -> memref<128xi32, #tpu.memory_space<vmem>>
        %dma_wait3A_84 = arith.constant 0 : i32
        %dma_wait3A_85 = tpu.memref_slice %arg3[%add3A_71, %dma_wait3A_84] : memref<1280x128xi32, #tpu.memory_space<hbm>> -> memref<1x128xi32, #tpu.memory_space<hbm>>
        %dma_wait3A_86 = tpu.memref_squeeze %dma_wait3A_85 : memref<1x128xi32, #tpu.memory_space<hbm>> -> memref<128xi32, #tpu.memory_space<hbm>>
        tpu.wait_dma2 semaphore(%dma_wait3A_80 : memref<!tpu.dma_semaphore, #tpu.memory_space<semaphore_mem>>) src(%dma_wait3A_86 : memref<128xi32, #tpu.memory_space<hbm>>) dst(%dma_wait3A_83 : memref<128xi32, #tpu.memory_space<vmem>>)
        %dma_start3A = arith.constant 0 : i32
        %dma_start3A_87 = arith.constant 0 : i32
        %dma_start3A_88 = tpu.memref_slice %arg9[%rem3A_70, %dma_start3A, %dma_start3A_87] : memref<2x128x128xf32, #tpu.memory_space<vmem>> -> memref<1x128x128xf32, #tpu.memory_space<vmem>>
        %dma_start3A_89 = tpu.memref_squeeze %dma_start3A_88 : memref<1x128x128xf32, #tpu.memory_space<vmem>> -> memref<128x128xf32, #tpu.memory_space<vmem>>
        %dma_start3A_90 = arith.constant 0 : i32
        %dma_start3A_91 = tpu.memref_slice %arg7[%rem3A_70, %dma_start3A_90] : memref<2x128xi32, #tpu.memory_space<vmem>> -> memref<1x128xi32, #tpu.memory_space<vmem>>
        %dma_start3A_92 = tpu.memref_squeeze %dma_start3A_91 : memref<1x128xi32, #tpu.memory_space<vmem>> -> memref<128xi32, #tpu.memory_space<vmem>>
        %dma_start3A_93 = arith.constant 0 : i32
        %dma_start3A_94 = arith.constant 0 : i32
        %dma_start3A_95 = tpu.memref_slice %arg2[%dma_start3A_93, %dma_start3A_94] : memref<10000x128xf32, #tpu.memory_space<hbm>> -> memref<10000x128xf32, #tpu.memory_space<hbm>>
        %dma_start3A_96 = tpu.memref_slice %arg11[%rem3A_70] : memref<2x!tpu.dma_semaphore, #tpu.memory_space<semaphore_mem>> -> memref<1x!tpu.dma_semaphore, #tpu.memory_space<semaphore_mem>>
        %dma_start3A_97 = tpu.memref_squeeze %dma_start3A_96 : memref<1x!tpu.dma_semaphore, #tpu.memory_space<semaphore_mem>> -> memref<!tpu.dma_semaphore, #tpu.memory_space<semaphore_mem>>
        tpu.enqueue_indirect_dma source(%dma_start3A_95 : memref<10000x128xf32, #tpu.memory_space<hbm>>) target(%dma_start3A_89 : memref<128x128xf32, #tpu.memory_space<vmem>>) offsets(%dma_start3A_92 : memref<128xi32, #tpu.memory_space<vmem>>) semaphore(%dma_start3A_97 : memref<!tpu.dma_semaphore, #tpu.memory_space<semaphore_mem>>)
      } else {
      }
      %dma_wait3A = arith.constant 0 : i32
      %dma_wait3A_43 = arith.constant 0 : i32
      %dma_wait3A_44 = tpu.memref_slice %arg9[%rem3A_28, %dma_wait3A, %dma_wait3A_43] : memref<2x128x128xf32, #tpu.memory_space<vmem>> -> memref<1x128x128xf32, #tpu.memory_space<vmem>>
      %dma_wait3A_45 = tpu.memref_squeeze %dma_wait3A_44 : memref<1x128x128xf32, #tpu.memory_space<vmem>> -> memref<128x128xf32, #tpu.memory_space<vmem>>
      %dma_wait3A_46 = arith.constant 0 : i32
      %dma_wait3A_47 = tpu.memref_slice %arg7[%rem3A_28, %dma_wait3A_46] : memref<2x128xi32, #tpu.memory_space<vmem>> -> memref<1x128xi32, #tpu.memory_space<vmem>>
      %dma_wait3A_48 = tpu.memref_squeeze %dma_wait3A_47 : memref<1x128xi32, #tpu.memory_space<vmem>> -> memref<128xi32, #tpu.memory_space<vmem>>
      %dma_wait3A_49 = arith.constant 0 : i32
      %dma_wait3A_50 = arith.constant 0 : i32
      %dma_wait3A_51 = tpu.memref_slice %arg2[%dma_wait3A_49, %dma_wait3A_50] : memref<10000x128xf32, #tpu.memory_space<hbm>> -> memref<10000x128xf32, #tpu.memory_space<hbm>>
      %dma_wait3A_52 = tpu.memref_slice %arg11[%rem3A_28] : memref<2x!tpu.dma_semaphore, #tpu.memory_space<semaphore_mem>> -> memref<1x!tpu.dma_semaphore, #tpu.memory_space<semaphore_mem>>
      %dma_wait3A_53 = tpu.memref_squeeze %dma_wait3A_52 : memref<1x!tpu.dma_semaphore, #tpu.memory_space<semaphore_mem>> -> memref<!tpu.dma_semaphore, #tpu.memory_space<semaphore_mem>>
      tpu.wait_indirect_dma semaphore(%dma_wait3A_53 : memref<!tpu.dma_semaphore, #tpu.memory_space<semaphore_mem>>) src(%dma_wait3A_51 : memref<10000x128xf32, #tpu.memory_space<hbm>>) dst(%dma_wait3A_45 : memref<128x128xf32, #tpu.memory_space<vmem>>)
      %dma_wait3A_54 = arith.constant 1 : i32
      %dma_wait3A_55 = arith.constant 0 : i32
      %dma_wait3A_56 = tpu.memref_slice %arg8[%rem3A_28, %dma_wait3A_55] : memref<2x128xi32, #tpu.memory_space<vmem>> -> memref<1x128xi32, #tpu.memory_space<vmem>>
      %dma_wait3A_57 = tpu.memref_squeeze %dma_wait3A_56 : memref<1x128xi32, #tpu.memory_space<vmem>> -> memref<128xi32, #tpu.memory_space<vmem>>
      %dma_wait3A_58 = arith.constant 0 : i32
      %dma_wait3A_59 = tpu.memref_slice %arg4[%select_n3A, %dma_wait3A_58] : memref<1280x128xi32, #tpu.memory_space<hbm>> -> memref<1x128xi32, #tpu.memory_space<hbm>>
      %dma_wait3A_60 = tpu.memref_squeeze %dma_wait3A_59 : memref<1x128xi32, #tpu.memory_space<hbm>> -> memref<128xi32, #tpu.memory_space<hbm>>
      %dma_wait3A_61 = tpu.memref_slice %arg12[%rem3A_28, %dma_wait3A_54] : memref<2x2x!tpu.dma_semaphore, #tpu.memory_space<semaphore_mem>> -> memref<1x1x!tpu.dma_semaphore, #tpu.memory_space<semaphore_mem>>
      %dma_wait3A_62 = tpu.memref_squeeze %dma_wait3A_61 : memref<1x1x!tpu.dma_semaphore, #tpu.memory_space<semaphore_mem>> -> memref<!tpu.dma_semaphore, #tpu.memory_space<semaphore_mem>>
      %dma_wait3A_63 = arith.constant 0 : i32
      %dma_wait3A_64 = tpu.memref_slice %arg8[%rem3A_28, %dma_wait3A_63] : memref<2x128xi32, #tpu.memory_space<vmem>> -> memref<1x128xi32, #tpu.memory_space<vmem>>
      %dma_wait3A_65 = tpu.memref_squeeze %dma_wait3A_64 : memref<1x128xi32, #tpu.memory_space<vmem>> -> memref<128xi32, #tpu.memory_space<vmem>>
      %dma_wait3A_66 = arith.constant 0 : i32
      %dma_wait3A_67 = tpu.memref_slice %arg4[%select_n3A, %dma_wait3A_66] : memref<1280x128xi32, #tpu.memory_space<hbm>> -> memref<1x128xi32, #tpu.memory_space<hbm>>
      %dma_wait3A_68 = tpu.memref_squeeze %dma_wait3A_67 : memref<1x128xi32, #tpu.memory_space<hbm>> -> memref<128xi32, #tpu.memory_space<hbm>>
      tpu.wait_dma2 semaphore(%dma_wait3A_62 : memref<!tpu.dma_semaphore, #tpu.memory_space<semaphore_mem>>) src(%dma_wait3A_68 : memref<128xi32, #tpu.memory_space<hbm>>) dst(%dma_wait3A_65 : memref<128xi32, #tpu.memory_space<vmem>>)
      "tpu.region"() ({
        %run_scoped3A = tpu.sem_alloc : memref<!tpu.dma_semaphore, #tpu.memory_space<semaphore_mem>>
        %dma_start3A = arith.constant 0 : i32
        %dma_start3A_69 = arith.constant 0 : i32
        %dma_start3A_70 = tpu.memref_slice %arg9[%rem3A_28, %dma_start3A, %dma_start3A_69] : memref<2x128x128xf32, #tpu.memory_space<vmem>> -> memref<1x128x128xf32, #tpu.memory_space<vmem>>
        %dma_start3A_71 = tpu.memref_squeeze %dma_start3A_70 : memref<1x128x128xf32, #tpu.memory_space<vmem>> -> memref<128x128xf32, #tpu.memory_space<vmem>>
        %dma_start3A_72 = arith.constant 0 : i32
        %dma_start3A_73 = tpu.memref_slice %arg8[%rem3A_28, %dma_start3A_72] : memref<2x128xi32, #tpu.memory_space<vmem>> -> memref<1x128xi32, #tpu.memory_space<vmem>>
        %dma_start3A_74 = tpu.memref_squeeze %dma_start3A_73 : memref<1x128xi32, #tpu.memory_space<vmem>> -> memref<128xi32, #tpu.memory_space<vmem>>
        %dma_start3A_75 = arith.constant 0 : i32
        %dma_start3A_76 = arith.constant 0 : i32
        %dma_start3A_77 = tpu.memref_slice %arg10[%dma_start3A_75, %dma_start3A_76] : memref<10240x128xf32, #tpu.memory_space<vmem_shared>> -> memref<10240x128xf32, #tpu.memory_space<vmem_shared>>
        tpu.enqueue_indirect_dma source(%dma_start3A_71 : memref<128x128xf32, #tpu.memory_space<vmem>>) target(%dma_start3A_77 : memref<10240x128xf32, #tpu.memory_space<vmem_shared>>) offsets(%dma_start3A_74 : memref<128xi32, #tpu.memory_space<vmem>>) semaphore(%run_scoped3A : memref<!tpu.dma_semaphore, #tpu.memory_space<semaphore_mem>>) {add = true}
        %dma_wait3A_78 = arith.constant 0 : i32
        %dma_wait3A_79 = arith.constant 0 : i32
        %dma_wait3A_80 = tpu.memref_slice %arg9[%rem3A_28, %dma_wait3A_78, %dma_wait3A_79] : memref<2x128x128xf32, #tpu.memory_space<vmem>> -> memref<1x128x128xf32, #tpu.memory_space<vmem>>
        %dma_wait3A_81 = tpu.memref_squeeze %dma_wait3A_80 : memref<1x128x128xf32, #tpu.memory_space<vmem>> -> memref<128x128xf32, #tpu.memory_space<vmem>>
        %dma_wait3A_82 = arith.constant 0 : i32
        %dma_wait3A_83 = tpu.memref_slice %arg8[%rem3A_28, %dma_wait3A_82] : memref<2x128xi32, #tpu.memory_space<vmem>> -> memref<1x128xi32, #tpu.memory_space<vmem>>
        %dma_wait3A_84 = tpu.memref_squeeze %dma_wait3A_83 : memref<1x128xi32, #tpu.memory_space<vmem>> -> memref<128xi32, #tpu.memory_space<vmem>>
        %dma_wait3A_85 = arith.constant 0 : i32
        %dma_wait3A_86 = arith.constant 0 : i32
        %dma_wait3A_87 = tpu.memref_slice %arg10[%dma_wait3A_85, %dma_wait3A_86] : memref<10240x128xf32, #tpu.memory_space<vmem_shared>> -> memref<10240x128xf32, #tpu.memory_space<vmem_shared>>
        tpu.wait_indirect_dma semaphore(%run_scoped3A : memref<!tpu.dma_semaphore, #tpu.memory_space<semaphore_mem>>) src(%dma_wait3A_81 : memref<128x128xf32, #tpu.memory_space<vmem>>) dst(%dma_wait3A_87 : memref<10240x128xf32, #tpu.memory_space<vmem_shared>>)
        tpu.yield
      }) : () -> ()
    }
    %barrier3A_22 = arith.constant 0 : index
    tpu.barrier barrier_id(%barrier3A_22)
    %mul3A_23 = arith.constant 640 : i32
    %mul3A_24 = arith.muli %arg1, %mul3A_23 : i32
    %mul3A_25 = arith.constant 640 : i32
    %mul3A_26 = arith.muli %arg1, %mul3A_25 : i32
    "tpu.region"() ({
      %run_scoped3A = tpu.sem_alloc : memref<!tpu.dma_semaphore, #tpu.memory_space<semaphore_mem>>
      %dma_start3A = arith.constant 0 : i32
      %dma_start3A_27 = tpu.memref_slice %arg6[%arg0, %mul3A_26, %dma_start3A] : memref<2x10240x128xf32, #tpu.memory_space<hbm>> -> memref<1x640x128xf32, #tpu.memory_space<hbm>>
      %dma_start3A_28 = tpu.memref_squeeze %dma_start3A_27 : memref<1x640x128xf32, #tpu.memory_space<hbm>> -> memref<640x128xf32, #tpu.memory_space<hbm>>
      %dma_start3A_29 = arith.constant 0 : i32
      %dma_start3A_30 = tpu.memref_slice %arg10[%mul3A_24, %dma_start3A_29] : memref<10240x128xf32, #tpu.memory_space<vmem_shared>> -> memref<640x128xf32, #tpu.memory_space<vmem_shared>>
      tpu.enqueue_dma source(%dma_start3A_30 : memref<640x128xf32, #tpu.memory_space<vmem_shared>>) target(%dma_start3A_28 : memref<640x128xf32, #tpu.memory_space<hbm>>) target_semaphore(%run_scoped3A : memref<!tpu.dma_semaphore, #tpu.memory_space<semaphore_mem>>)
      %dma_wait3A = arith.constant 0 : i32
      %dma_wait3A_31 = tpu.memref_slice %arg6[%arg0, %mul3A_26, %dma_wait3A] : memref<2x10240x128xf32, #tpu.memory_space<hbm>> -> memref<1x640x128xf32, #tpu.memory_space<hbm>>
      %dma_wait3A_32 = tpu.memref_squeeze %dma_wait3A_31 : memref<1x640x128xf32, #tpu.memory_space<hbm>> -> memref<640x128xf32, #tpu.memory_space<hbm>>
      %dma_wait3A_33 = arith.constant 0 : i32
      %dma_wait3A_34 = tpu.memref_slice %arg10[%mul3A_24, %dma_wait3A_33] : memref<10240x128xf32, #tpu.memory_space<vmem_shared>> -> memref<640x128xf32, #tpu.memory_space<vmem_shared>>
      tpu.wait_dma2 semaphore(%run_scoped3A : memref<!tpu.dma_semaphore, #tpu.memory_space<semaphore_mem>>) src(%dma_wait3A_34 : memref<640x128xf32, #tpu.memory_space<vmem_shared>>) dst(%dma_wait3A_32 : memref<640x128xf32, #tpu.memory_space<hbm>>)
      tpu.yield
    }) : () -> ()
    return
  }
}

module attributes {stable_mosaic.version = 14 : i64} {
  func.func @body(%arg0: i32, %arg1: memref<2x1024x128xf32, #tpu.memory_space<vmem>>, %arg2: memref<1024x128xf32, #tpu.memory_space<vmem>>, %arg3: memref<1024x1xf32, #tpu.memory_space<vmem>>, %arg4: memref<1024x128xf32, #tpu.memory_space<vmem>>) attributes {dimension_semantics = [#tpu.dimension_semantics<arbitrary>], iteration_bounds = array<i64: 10>, scalar_prefetch = 0 : i64, scratch_operands = 0 : i64, tpu.core_type = #tpu.core_type<tc>, window_params = [{transform_indices = @transform_0, window_bounds = array<i64: 2, 1024, 128>}, {transform_indices = @transform_1, window_bounds = array<i64: 1024, 128>}, {transform_indices = @transform_2, window_bounds = array<i64: 1024, 1>}, {transform_indices = @transform_3, window_bounds = array<i64: 1024, 128>}]} {
    %get3A = arith.constant 0 : index
    %get3A_0 = arith.constant 0 : index
    %get3A_1 = arith.constant 0 : index
    %get3A_2 = vector.load %arg1[%get3A, %get3A_0, %get3A_1] : memref<2x1024x128xf32, #tpu.memory_space<vmem>>, vector<2x1024x128xf32>
    %slice3A = vector.extract_strided_slice %get3A_2 {offsets = [0, 0, 0], sizes = [1, 1024, 1], strides = [1, 1, 1]} : vector<2x1024x128xf32> to vector<1x1024x1xf32>
    %squeeze3A = vector.shape_cast %slice3A : vector<1x1024x1xf32> to vector<1024x1xf32>
    %slice3A_3 = vector.extract_strided_slice %get3A_2 {offsets = [1, 0, 0], sizes = [1, 1024, 1], strides = [1, 1, 1]} : vector<2x1024x128xf32> to vector<1x1024x1xf32>
    %squeeze3A_4 = vector.shape_cast %slice3A_3 : vector<1x1024x1xf32> to vector<1024x1xf32>
    %add3A = arith.addf %squeeze3A, %squeeze3A_4 : vector<1024x1xf32>
    %add3A_5 = arith.constant 1.000000e+00 : f32
    %add3A_6 = vector.broadcast %add3A_5 : f32 to vector<1024x1xf32>
    %add3A_7 = arith.addf %add3A, %add3A_6 : vector<1024x1xf32>
    %rsqrt3A = math.rsqrt %add3A_7 : vector<1024x1xf32>
    %swap3A = arith.constant 0 : index
    %swap3A_8 = arith.constant 0 : index
    %swap3A_9 = vector.load %arg3[%swap3A, %swap3A_8] : memref<1024x1xf32, #tpu.memory_space<vmem>>, vector<1024x1xf32>
    tpu.vector_store %arg3[%swap3A, %swap3A_8], %rsqrt3A {strides = array<i32>} : memref<1024x1xf32, #tpu.memory_space<vmem>>, vector<1024x1xf32>,
    %get3A_10 = arith.constant 0 : index
    %get3A_11 = arith.constant 0 : index
    %get3A_12 = vector.load %arg2[%get3A_10, %get3A_11] : memref<1024x128xf32, #tpu.memory_space<vmem>>, vector<1024x128xf32>
    %mul3A = vector.broadcast %rsqrt3A : vector<1024x1xf32> to vector<1024x128xf32>
    %mul3A_13 = arith.mulf %get3A_12, %mul3A : vector<1024x128xf32>
    %swap3A_14 = arith.constant 0 : index
    %swap3A_15 = arith.constant 0 : index
    %swap3A_16 = vector.load %arg4[%swap3A_14, %swap3A_15] : memref<1024x128xf32, #tpu.memory_space<vmem>>, vector<1024x128xf32>
    tpu.vector_store %arg4[%swap3A_14, %swap3A_15], %mul3A_13 {strides = array<i32>} : memref<1024x128xf32, #tpu.memory_space<vmem>>, vector<1024x128xf32>,
    return
  }
  func.func @transform_0(%arg0: i32) -> (i32, i32, i32) {
    %c0_i32 = arith.constant 0 : i32
    %c0_i32_0 = arith.constant 0 : i32
    %c0_i32_1 = arith.constant 0 : i32
    return %c0_i32, %arg0, %c0_i32_0 : i32, i32, i32
  }
  func.func @transform_1(%arg0: i32) -> (i32, i32) {
    %c0_i32 = arith.constant 0 : i32
    %c0_i32_0 = arith.constant 0 : i32
    return %arg0, %c0_i32 : i32, i32
  }
  func.func @transform_2(%arg0: i32) -> (i32, i32) {
    %c0_i32 = arith.constant 0 : i32
    %c0_i32_0 = arith.constant 0 : i32
    return %arg0, %c0_i32 : i32, i32
  }
  func.func @transform_3(%arg0: i32) -> (i32, i32) {
    %c0_i32 = arith.constant 0 : i32
    %c0_i32_0 = arith.constant 0 : i32
    return %arg0, %c0_i32 : i32, i32
  }
}

module attributes {stable_mosaic.version = 14 : i64} {
  func.func @body(%arg0: i32, %arg1: memref<2x1024x128xf32, #tpu.memory_space<vmem>>, %arg2: memref<1024x128xf32, #tpu.memory_space<vmem>>, %arg3: memref<1024x1xf32, #tpu.memory_space<vmem>>, %arg4: memref<128x256xf32, #tpu.memory_space<vmem>>, %arg5: memref<1x256xf32, #tpu.memory_space<vmem>>, %arg6: memref<256x128xf32, #tpu.memory_space<vmem>>, %arg7: memref<1024x128xf32, #tpu.memory_space<vmem>>) attributes {dimension_semantics = [#tpu.dimension_semantics<arbitrary>], iteration_bounds = array<i64: 10>, scalar_prefetch = 0 : i64, scratch_operands = 0 : i64, tpu.core_type = #tpu.core_type<tc>, window_params = [{transform_indices = @transform_0, window_bounds = array<i64: 2, 1024, 128>}, {transform_indices = @transform_1, window_bounds = array<i64: 1024, 128>}, {transform_indices = @transform_2, window_bounds = array<i64: 1024, 1>}, {pipeline_mode = #tpu.pipeline_mode<synchronous>, transform_indices = @transform_3, window_bounds = array<i64: 128, 256>}, {pipeline_mode = #tpu.pipeline_mode<synchronous>, transform_indices = @transform_4, window_bounds = array<i64: 1, 256>}, {pipeline_mode = #tpu.pipeline_mode<synchronous>, transform_indices = @transform_5, window_bounds = array<i64: 256, 128>}, {transform_indices = @transform_6, window_bounds = array<i64: 1024, 128>}]} {
    %get3A = arith.constant 0 : index
    %get3A_0 = arith.constant 0 : index
    %get3A_1 = vector.load %arg3[%get3A, %get3A_0] : memref<1024x1xf32, #tpu.memory_space<vmem>>, vector<1024x1xf32>
    %get3A_2 = arith.constant 0 : index
    %get3A_3 = arith.constant 0 : index
    %get3A_4 = arith.constant 0 : index
    %get3A_5 = vector.load %arg1[%get3A_2, %get3A_3, %get3A_4] : memref<2x1024x128xf32, #tpu.memory_space<vmem>>, vector<1x1024x128xf32>
    %get3A_6 = vector.shape_cast %get3A_5 : vector<1x1024x128xf32> to vector<1024x128xf32>
    %get3A_7 = arith.constant 1 : index
    %get3A_8 = arith.constant 0 : index
    %get3A_9 = arith.constant 0 : index
    %get3A_10 = vector.load %arg1[%get3A_7, %get3A_8, %get3A_9] : memref<2x1024x128xf32, #tpu.memory_space<vmem>>, vector<1x1024x128xf32>
    %get3A_11 = vector.shape_cast %get3A_10 : vector<1x1024x128xf32> to vector<1024x128xf32>
    %add3A = arith.addf %get3A_6, %get3A_11 : vector<1024x128xf32>
    %get3A_12 = arith.constant 0 : index
    %get3A_13 = arith.constant 0 : index
    %get3A_14 = vector.load %arg2[%get3A_12, %get3A_13] : memref<1024x128xf32, #tpu.memory_space<vmem>>, vector<1024x128xf32>
    %add3A_15 = arith.addf %add3A, %get3A_14 : vector<1024x128xf32>
    %mul3A = vector.broadcast %get3A_1 : vector<1024x1xf32> to vector<1024x128xf32>
    %mul3A_16 = arith.mulf %mul3A, %add3A_15 : vector<1024x128xf32>
    %get3A_17 = arith.constant 0 : index
    %get3A_18 = arith.constant 0 : index
    %get3A_19 = vector.load %arg4[%get3A_17, %get3A_18] : memref<128x256xf32, #tpu.memory_space<vmem>>, vector<128x256xf32>
    %dot_general3A = arith.constant dense<0.000000e+00> : vector<1024x256xf32>
    %dot_general3A_20 = tpu.matmul %mul3A_16, %get3A_19, %dot_general3A {dimension_numbers = #tpu.dot_dimension_numbers<[1], [0], [0], [1], [0, 0, 1, 1], [], []>, transpose_lhs_hint = false} : vector<1024x128xf32>, vector<128x256xf32>, vector<1024x256xf32> -> vector<1024x256xf32>
    %get3A_21 = arith.constant 0 : index
    %get3A_22 = arith.constant 0 : index
    %get3A_23 = vector.load %arg5[%get3A_21, %get3A_22] : memref<1x256xf32, #tpu.memory_space<vmem>>, vector<1x256xf32>
    %add3A_24 = vector.broadcast %get3A_23 : vector<1x256xf32> to vector<1024x256xf32>
    %add3A_25 = arith.addf %dot_general3A_20, %add3A_24 : vector<1024x256xf32>
    %max3A = arith.constant 0.000000e+00 : f32
    %max3A_26 = vector.broadcast %max3A : f32 to vector<1024x256xf32>
    %max3A_27 = arith.maximumf %add3A_25, %max3A_26 : vector<1024x256xf32>
    %get3A_28 = arith.constant 0 : index
    %get3A_29 = arith.constant 0 : index
    %get3A_30 = vector.load %arg6[%get3A_28, %get3A_29] : memref<256x128xf32, #tpu.memory_space<vmem>>, vector<256x128xf32>
    %dot_general3A_31 = arith.constant dense<0.000000e+00> : vector<1024x128xf32>
    %dot_general3A_32 = tpu.matmul %max3A_27, %get3A_30, %dot_general3A_31 {dimension_numbers = #tpu.dot_dimension_numbers<[1], [0], [0], [1], [0, 0, 1, 1], [], []>, transpose_lhs_hint = false} : vector<1024x256xf32>, vector<256x128xf32>, vector<1024x128xf32> -> vector<1024x128xf32>
    %get3A_33 = arith.constant 0 : index
    %get3A_34 = arith.constant 0 : index
    %get3A_35 = vector.load %arg3[%get3A_33, %get3A_34] : memref<1024x1xf32, #tpu.memory_space<vmem>>, vector<1024x1xf32>
    %mul3A_36 = vector.broadcast %get3A_35 : vector<1024x1xf32> to vector<1024x128xf32>
    %mul3A_37 = arith.mulf %mul3A_36, %dot_general3A_32 : vector<1024x128xf32>
    %swap3A = arith.constant 0 : index
    %swap3A_38 = arith.constant 0 : index
    %swap3A_39 = vector.load %arg7[%swap3A, %swap3A_38] : memref<1024x128xf32, #tpu.memory_space<vmem>>, vector<1024x128xf32>
    tpu.vector_store %arg7[%swap3A, %swap3A_38], %mul3A_37 {strides = array<i32>} : memref<1024x128xf32, #tpu.memory_space<vmem>>, vector<1024x128xf32>,
    return
  }
  func.func @transform_0(%arg0: i32) -> (i32, i32, i32) {
    %c0_i32 = arith.constant 0 : i32
    %c0_i32_0 = arith.constant 0 : i32
    %c0_i32_1 = arith.constant 0 : i32
    return %c0_i32, %arg0, %c0_i32_0 : i32, i32, i32
  }
  func.func @transform_1(%arg0: i32) -> (i32, i32) {
    %c0_i32 = arith.constant 0 : i32
    %c0_i32_0 = arith.constant 0 : i32
    return %arg0, %c0_i32 : i32, i32
  }
  func.func @transform_2(%arg0: i32) -> (i32, i32) {
    %c0_i32 = arith.constant 0 : i32
    %c0_i32_0 = arith.constant 0 : i32
    return %arg0, %c0_i32 : i32, i32
  }
  func.func @transform_3(%arg0: i32) -> (i32, i32) {
    %c0_i32 = arith.constant 0 : i32
    %c0_i32_0 = arith.constant 0 : i32
    %c0_i32_1 = arith.constant 0 : i32
    return %c0_i32, %c0_i32_0 : i32, i32
  }
  func.func @transform_4(%arg0: i32) -> (i32, i32) {
    %c0_i32 = arith.constant 0 : i32
    %c0_i32_0 = arith.constant 0 : i32
    %c0_i32_1 = arith.constant 0 : i32
    return %c0_i32, %c0_i32_0 : i32, i32
  }
  func.func @transform_5(%arg0: i32) -> (i32, i32) {
    %c0_i32 = arith.constant 0 : i32
    %c0_i32_0 = arith.constant 0 : i32
    %c0_i32_1 = arith.constant 0 : i32
    return %c0_i32, %c0_i32_0 : i32, i32
  }
  func.func @transform_6(%arg0: i32) -> (i32, i32) {
    %c0_i32 = arith.constant 0 : i32
    %c0_i32_0 = arith.constant 0 : i32
    return %arg0, %c0_i32 : i32, i32
  }
}

module attributes {stable_mosaic.version = 14 : i64} {
  func.func @body(%arg0: i32, %arg1: memref<2x1024x128xf32, #tpu.memory_space<vmem>>, %arg2: memref<1024x128xf32, #tpu.memory_space<vmem>>, %arg3: memref<1024x1xf32, #tpu.memory_space<vmem>>, %arg4: memref<1x64xf32, #tpu.memory_space<vmem>>, %arg5: memref<1x64xf32, #tpu.memory_space<vmem>>, %arg6: memref<1024x64xf32, #tpu.memory_space<vmem>>, %arg7: memref<64x128xf32, #tpu.memory_space<vmem>>, %arg8: memref<1x128xf32, #tpu.memory_space<vmem>>, %arg9: memref<64x128xf32, #tpu.memory_space<vmem>>, %arg10: memref<1024x64xf32, #tpu.memory_space<vmem>>, %arg11: memref<1024x64xf32, #tpu.memory_space<vmem>>, %arg12: memref<1024x64xf32, #tpu.memory_space<vmem>>, %arg13: memref<1024x128xf32, #tpu.memory_space<vmem>>) attributes {dimension_semantics = [#tpu.dimension_semantics<arbitrary>], iteration_bounds = array<i64: 10>, scalar_prefetch = 0 : i64, scratch_operands = 0 : i64, tpu.core_type = #tpu.core_type<tc>, window_params = [{transform_indices = @transform_0, window_bounds = array<i64: 2, 1024, 128>}, {transform_indices = @transform_1, window_bounds = array<i64: 1024, 128>}, {transform_indices = @transform_2, window_bounds = array<i64: 1024, 1>}, {pipeline_mode = #tpu.pipeline_mode<synchronous>, transform_indices = @transform_3, window_bounds = array<i64: 1, 64>}, {pipeline_mode = #tpu.pipeline_mode<synchronous>, transform_indices = @transform_4, window_bounds = array<i64: 1, 64>}, {transform_indices = @transform_5, window_bounds = array<i64: 1024, 64>}, {pipeline_mode = #tpu.pipeline_mode<synchronous>, transform_indices = @transform_6, window_bounds = array<i64: 64, 128>}, {pipeline_mode = #tpu.pipeline_mode<synchronous>, transform_indices = @transform_7, window_bounds = array<i64: 1, 128>}, {pipeline_mode = #tpu.pipeline_mode<synchronous>, transform_indices = @transform_8, window_bounds = array<i64: 64, 128>}, {transform_indices = @transform_9, window_bounds = array<i64: 1024, 64>}, {transform_indices = @transform_10, window_bounds = array<i64: 1024, 64>}, {transform_indices = @transform_11, window_bounds = array<i64: 1024, 64>}, {transform_indices = @transform_12, window_bounds = array<i64: 1024, 128>}]} {
    %get3A = arith.constant 0 : index
    %get3A_0 = arith.constant 0 : index
    %get3A_1 = vector.load %arg3[%get3A, %get3A_0] : memref<1024x1xf32, #tpu.memory_space<vmem>>, vector<1024x1xf32>
    %get3A_2 = arith.constant 0 : index
    %get3A_3 = arith.constant 0 : index
    %get3A_4 = arith.constant 0 : index
    %get3A_5 = vector.load %arg1[%get3A_2, %get3A_3, %get3A_4] : memref<2x1024x128xf32, #tpu.memory_space<vmem>>, vector<1x1024x128xf32>
    %get3A_6 = vector.shape_cast %get3A_5 : vector<1x1024x128xf32> to vector<1024x128xf32>
    %get3A_7 = arith.constant 1 : index
    %get3A_8 = arith.constant 0 : index
    %get3A_9 = arith.constant 0 : index
    %get3A_10 = vector.load %arg1[%get3A_7, %get3A_8, %get3A_9] : memref<2x1024x128xf32, #tpu.memory_space<vmem>>, vector<1x1024x128xf32>
    %get3A_11 = vector.shape_cast %get3A_10 : vector<1x1024x128xf32> to vector<1024x128xf32>
    %add3A = arith.addf %get3A_6, %get3A_11 : vector<1024x128xf32>
    %get3A_12 = arith.constant 0 : index
    %get3A_13 = arith.constant 0 : index
    %get3A_14 = vector.load %arg2[%get3A_12, %get3A_13] : memref<1024x128xf32, #tpu.memory_space<vmem>>, vector<1024x128xf32>
    %add3A_15 = arith.addf %add3A, %get3A_14 : vector<1024x128xf32>
    %mul3A = vector.broadcast %get3A_1 : vector<1024x1xf32> to vector<1024x128xf32>
    %mul3A_16 = arith.mulf %mul3A, %add3A_15 : vector<1024x128xf32>
    %slice3A = vector.extract_strided_slice %mul3A_16 {offsets = [0, 0], sizes = [1024, 64], strides = [1, 1]} : vector<1024x128xf32> to vector<1024x64xf32>
    %get3A_17 = arith.constant 0 : index
    %get3A_18 = arith.constant 0 : index
    %get3A_19 = vector.load %arg4[%get3A_17, %get3A_18] : memref<1x64xf32, #tpu.memory_space<vmem>>, vector<1x64xf32>
    %add3A_20 = vector.broadcast %get3A_19 : vector<1x64xf32> to vector<1024x64xf32>
    %add3A_21 = arith.addf %slice3A, %add3A_20 : vector<1024x64xf32>
    %slice3A_22 = vector.extract_strided_slice %mul3A_16 {offsets = [0, 64], sizes = [1024, 64], strides = [1, 1]} : vector<1024x128xf32> to vector<1024x64xf32>
    %get3A_23 = arith.constant 0 : index
    %get3A_24 = arith.constant 0 : index
    %get3A_25 = vector.load %arg5[%get3A_23, %get3A_24] : memref<1x64xf32, #tpu.memory_space<vmem>>, vector<1x64xf32>
    %add3A_26 = vector.broadcast %get3A_25 : vector<1x64xf32> to vector<1024x64xf32>
    %add3A_27 = arith.addf %slice3A_22, %add3A_26 : vector<1024x64xf32>
    %get3A_28 = arith.constant 0 : index
    %get3A_29 = arith.constant 0 : index
    %get3A_30 = vector.load %arg6[%get3A_28, %get3A_29] : memref<1024x64xf32, #tpu.memory_space<vmem>>, vector<1024x64xf32>
    %exp3A = math.exp %add3A_27 : vector<1024x64xf32>
    %mul3A_31 = arith.mulf %get3A_30, %exp3A : vector<1024x64xf32>
    %add3A_32 = arith.addf %add3A_21, %mul3A_31 : vector<1024x64xf32>
    %swap3A = arith.constant 0 : index
    %swap3A_33 = arith.constant 0 : index
    %swap3A_34 = vector.load %arg10[%swap3A, %swap3A_33] : memref<1024x64xf32, #tpu.memory_space<vmem>>, vector<1024x64xf32>
    tpu.vector_store %arg10[%swap3A, %swap3A_33], %add3A_21 {strides = array<i32>} : memref<1024x64xf32, #tpu.memory_space<vmem>>, vector<1024x64xf32>,
    %swap3A_35 = arith.constant 0 : index
    %swap3A_36 = arith.constant 0 : index
    %swap3A_37 = vector.load %arg11[%swap3A_35, %swap3A_36] : memref<1024x64xf32, #tpu.memory_space<vmem>>, vector<1024x64xf32>
    tpu.vector_store %arg11[%swap3A_35, %swap3A_36], %add3A_27 {strides = array<i32>} : memref<1024x64xf32, #tpu.memory_space<vmem>>, vector<1024x64xf32>,
    %swap3A_38 = arith.constant 0 : index
    %swap3A_39 = arith.constant 0 : index
    %swap3A_40 = vector.load %arg12[%swap3A_38, %swap3A_39] : memref<1024x64xf32, #tpu.memory_space<vmem>>, vector<1024x64xf32>
    tpu.vector_store %arg12[%swap3A_38, %swap3A_39], %add3A_32 {strides = array<i32>} : memref<1024x64xf32, #tpu.memory_space<vmem>>, vector<1024x64xf32>,
    %get3A_41 = arith.constant 0 : index
    %get3A_42 = arith.constant 0 : index
    %get3A_43 = vector.load %arg7[%get3A_41, %get3A_42] : memref<64x128xf32, #tpu.memory_space<vmem>>, vector<64x128xf32>
    %get3A_44 = arith.constant 0 : index
    %get3A_45 = arith.constant 0 : index
    %get3A_46 = vector.load %arg9[%get3A_44, %get3A_45] : memref<64x128xf32, #tpu.memory_space<vmem>>, vector<64x128xf32>
    %mul3A_47 = arith.mulf %get3A_43, %get3A_46 : vector<64x128xf32>
    %dot_general3A = arith.constant dense<0.000000e+00> : vector<1024x128xf32>
    %dot_general3A_48 = tpu.matmul %add3A_32, %mul3A_47, %dot_general3A {dimension_numbers = #tpu.dot_dimension_numbers<[1], [0], [0], [1], [0, 0, 1, 1], [], []>, transpose_lhs_hint = false} : vector<1024x64xf32>, vector<64x128xf32>, vector<1024x128xf32> -> vector<1024x128xf32>
    %get3A_49 = arith.constant 0 : index
    %get3A_50 = arith.constant 0 : index
    %get3A_51 = vector.load %arg8[%get3A_49, %get3A_50] : memref<1x128xf32, #tpu.memory_space<vmem>>, vector<1x128xf32>
    %add3A_52 = vector.broadcast %get3A_51 : vector<1x128xf32> to vector<1024x128xf32>
    %add3A_53 = arith.addf %dot_general3A_48, %add3A_52 : vector<1024x128xf32>
    %swap3A_54 = arith.constant 0 : index
    %swap3A_55 = arith.constant 0 : index
    %swap3A_56 = vector.load %arg13[%swap3A_54, %swap3A_55] : memref<1024x128xf32, #tpu.memory_space<vmem>>, vector<1024x128xf32>
    tpu.vector_store %arg13[%swap3A_54, %swap3A_55], %add3A_53 {strides = array<i32>} : memref<1024x128xf32, #tpu.memory_space<vmem>>, vector<1024x128xf32>,
    return
  }
  func.func @transform_0(%arg0: i32) -> (i32, i32, i32) {
    %c0_i32 = arith.constant 0 : i32
    %c0_i32_0 = arith.constant 0 : i32
    %c0_i32_1 = arith.constant 0 : i32
    return %c0_i32, %arg0, %c0_i32_0 : i32, i32, i32
  }
  func.func @transform_1(%arg0: i32) -> (i32, i32) {
    %c0_i32 = arith.constant 0 : i32
    %c0_i32_0 = arith.constant 0 : i32
    return %arg0, %c0_i32 : i32, i32
  }
  func.func @transform_2(%arg0: i32) -> (i32, i32) {
    %c0_i32 = arith.constant 0 : i32
    %c0_i32_0 = arith.constant 0 : i32
    return %arg0, %c0_i32 : i32, i32
  }
  func.func @transform_3(%arg0: i32) -> (i32, i32) {
    %c0_i32 = arith.constant 0 : i32
    %c0_i32_0 = arith.constant 0 : i32
    %c0_i32_1 = arith.constant 0 : i32
    return %c0_i32, %c0_i32_0 : i32, i32
  }
  func.func @transform_4(%arg0: i32) -> (i32, i32) {
    %c0_i32 = arith.constant 0 : i32
    %c0_i32_0 = arith.constant 0 : i32
    %c0_i32_1 = arith.constant 0 : i32
    return %c0_i32, %c0_i32_0 : i32, i32
  }
  func.func @transform_5(%arg0: i32) -> (i32, i32) {
    %c0_i32 = arith.constant 0 : i32
    %c0_i32_0 = arith.constant 0 : i32
    return %arg0, %c0_i32 : i32, i32
  }
  func.func @transform_6(%arg0: i32) -> (i32, i32) {
    %c0_i32 = arith.constant 0 : i32
    %c0_i32_0 = arith.constant 0 : i32
    %c0_i32_1 = arith.constant 0 : i32
    return %c0_i32, %c0_i32_0 : i32, i32
  }
  func.func @transform_7(%arg0: i32) -> (i32, i32) {
    %c0_i32 = arith.constant 0 : i32
    %c0_i32_0 = arith.constant 0 : i32
    %c0_i32_1 = arith.constant 0 : i32
    return %c0_i32, %c0_i32_0 : i32, i32
  }
  func.func @transform_8(%arg0: i32) -> (i32, i32) {
    %c0_i32 = arith.constant 0 : i32
    %c0_i32_0 = arith.constant 0 : i32
    %c0_i32_1 = arith.constant 0 : i32
    return %c0_i32, %c0_i32_0 : i32, i32
  }
  func.func @transform_9(%arg0: i32) -> (i32, i32) {
    %c0_i32 = arith.constant 0 : i32
    %c0_i32_0 = arith.constant 0 : i32
    return %arg0, %c0_i32 : i32, i32
  }
  func.func @transform_10(%arg0: i32) -> (i32, i32) {
    %c0_i32 = arith.constant 0 : i32
    %c0_i32_0 = arith.constant 0 : i32
    return %arg0, %c0_i32 : i32, i32
  }
  func.func @transform_11(%arg0: i32) -> (i32, i32) {
    %c0_i32 = arith.constant 0 : i32
    %c0_i32_0 = arith.constant 0 : i32
    return %arg0, %c0_i32 : i32, i32
  }
  func.func @transform_12(%arg0: i32) -> (i32, i32) {
    %c0_i32 = arith.constant 0 : i32
    %c0_i32_0 = arith.constant 0 : i32
    return %arg0, %c0_i32 : i32, i32
  }
}

module attributes {stable_mosaic.version = 14 : i64} {
  func.func @body(%arg0: i32, %arg1: i32, %arg2: memref<1024x64xf32, #tpu.memory_space<vmem>>, %arg3: memref<1024x64xf32, #tpu.memory_space<vmem>>, %arg4: memref<1024x1024xf32, #tpu.memory_space<vmem>>) attributes {dimension_semantics = [#tpu.dimension_semantics<arbitrary>, #tpu.dimension_semantics<arbitrary>], iteration_bounds = array<i64: 10, 10>, scalar_prefetch = 0 : i64, scratch_operands = 0 : i64, tpu.core_type = #tpu.core_type<tc>, window_params = [{transform_indices = @transform_0, window_bounds = array<i64: 1024, 64>}, {transform_indices = @transform_1, window_bounds = array<i64: 1024, 64>}, {transform_indices = @transform_2, window_bounds = array<i64: 1024, 1024>}]} {
    %get3A = arith.constant 0 : index
    %get3A_0 = arith.constant 0 : index
    %get3A_1 = vector.load %arg2[%get3A, %get3A_0] : memref<1024x64xf32, #tpu.memory_space<vmem>>, vector<1024x64xf32>
    %get3A_2 = arith.constant 0 : index
    %get3A_3 = arith.constant 0 : index
    %get3A_4 = vector.load %arg3[%get3A_2, %get3A_3] : memref<1024x64xf32, #tpu.memory_space<vmem>>, vector<1024x64xf32>
    %dot_general3A = arith.constant dense<0.000000e+00> : vector<1024x1024xf32>
    %dot_general3A_5 = tpu.matmul %get3A_1, %get3A_4, %dot_general3A {dimension_numbers = #tpu.dot_dimension_numbers<[1], [1], [0], [0], [0, 0, 1, 0], [], []>, transpose_lhs_hint = false} : vector<1024x64xf32>, vector<1024x64xf32>, vector<1024x1024xf32> -> vector<1024x1024xf32>
    %swap3A = arith.constant 0 : index
    %swap3A_6 = arith.constant 0 : index
    %swap3A_7 = vector.load %arg4[%swap3A, %swap3A_6] : memref<1024x1024xf32, #tpu.memory_space<vmem>>, vector<1024x1024xf32>
    tpu.vector_store %arg4[%swap3A, %swap3A_6], %dot_general3A_5 {strides = array<i32>} : memref<1024x1024xf32, #tpu.memory_space<vmem>>, vector<1024x1024xf32>,
    return
  }
  func.func @transform_0(%arg0: i32, %arg1: i32) -> (i32, i32) {
    %c0_i32 = arith.constant 0 : i32
    %c0_i32_0 = arith.constant 0 : i32
    return %arg0, %c0_i32 : i32, i32
  }
  func.func @transform_1(%arg0: i32, %arg1: i32) -> (i32, i32) {
    %c0_i32 = arith.constant 0 : i32
    %c0_i32_0 = arith.constant 0 : i32
    return %arg1, %c0_i32 : i32, i32
  }
  func.func @transform_2(%arg0: i32, %arg1: i32) -> (i32, i32) {
    %c0_i32 = arith.constant 0 : i32
    return %arg0, %arg1 : i32, i32
  }
}

</mosaic_0001>

<sc_bundles>
// kernel: kernel.12.cloned.1.call-start
scs
__scs_entry_jumppad:
0x0: {  	(pc) =	sbr.rel $0x88, $3  }
0x1: {  	(tag) =	ssettag $0x0;
	lr =	simm.s32 $0x1  }
0x2: {  	[smem:$0x3F95] =	sst lr;
	_ =	strace $0xD0000000  }
0x3: {  	_ = 	snop  }
0x4: {  	_ = 	snop  }
0x5: {  	_ = 	snop  }
0x6: {  	_ = 	snop  }
0x7: {  	_ = 	snop  }
__scs_overlays_trampoline_lowered:
0x8: {  	[smem:$0x3FA4] =	sst s0  }
0x9: {  	[smem:$0x3FA5] =	sst s1  }
0xa: {  	[smem:$0x3FA6] =	sst s2  }
0xb: {  	[smem:$0x3FA7] =	sst s3  }
0xc: {  	[smem:$0x3FA8] =	sst s4  }
0xd: {  	[smem:$0x3FA9] =	sst s5  }
0xe: {  	[smem:$0x3FAA] =	sst s6  }
0xf: {  	[smem:$0x3FAB] =	sst s7  }
0x10: {  	[smem:$0x3FAC] =	sst s8  }
0x11: {  	[smem:$0x3FAD] =	sst s9;
	s0 =	simm.s32 @!p0 $0x0  }
0x12: {  	s1 =	sld [smem:$0x3F93];
	s0 =	simm.s32 @p0 $0x1  }
0x13: {  	[smem:$0x3FAE] =	sst s0;
	s0 =	simm.s32 @!p1 $0x0  }
0x14: {  	s2 =	sld [smem:$0x3F92];
	s0 =	simm.s32 @p1 $0x1  }
0x15: {  	[smem:$0x3FAF] =	sst s0;
	s0 =	simm.s32 @!p2 $0x0  }
0x16: {  	s3 =	sld [smem:$0x3FDB];
	s0 =	simm.s32 @p2 $0x1  }
0x17: {  	s4 =	simm.s32 $0x1BF5;
	[smem:$0x3FB1] =	sst s0  }
0x18: {  	s0 =	sld [smem:$0x3F94];
	_ =	swait.ge [sflag:s4], $0x0  }
0x19: {  	s7 =	sld [smem:$0x3F95]  }
0x1a: {  	s8 =	sadd.s32 $0xFFFFE003, lr  }
0x1b: {  	s9 =	sadd.s32 $0xFFFFFEF7, lr;
	s5 =	simm.s32 $0xFFFFFFFF;
	p2 =	slt.u32 s8, $0xFFFFF086  }
0x1c: {  	p1 =	slt.u32 s9, $0xF7A;
	s5 =	simm.s32 @!p2 $0x0  }
0x1d: {  	s5 =	simm.s32 @p1 $0x1;
	p0 =	seq.s32 s7, s2  }
0x1e: {  	s7 =	smul.u32 @!p0 $0xF7A, s2;
	p2 =	seq.s32 @!p0 s5, $0x0  }
0x1f: {  	s9 =	smul.u32 $0xF7A, s1;
	s8 =	simm.s32 @!p0 $0x1BF5;
	p2 =	por !p2, p0  }
0x20: {  	[sflag:s8] =	ssyncset.s32 @!p0 $0xFFFFF086;
	s6 =	sadd.s32 @!p0 s3, s7;
	s7 =	simm.s32 @!p0 $0x108  }
0x21: {  	s3 =	sadd.s32 s3, s9;
	s6 =	sadd.s32 @!p0 $0x88, s6;
	s7 =	simm.s32 @p2 $0x1082  }
0x22: {  	[simem:s7], [sflag:s8] =	dma.local @!p0 [hbm:s6], $0xF7A  }
0x23: {  	s9 =	sor.u32 $0xD0000000, s2;
	s6 =	simm.s32 $0x108;
	_ =	swait.ge @!p0 [sflag:s8], $0x0  }
0x24: {  	s3 =	sadd.s32 $0x88, s3;
	s6 =	simm.s32 @!p1 $0x1082;
	[sflag:s4] =	ssyncset.s32 $0xFFFFF086  }
0x25: {  	[simem:s6], [sflag:s4] =	dma.local [hbm:s3], $0xF7A  }
0x26: {  	[smem:$0x3F95] =	sst s1;
	(tag) =	ssettag s2;
	_ =	strace s9  }
0x27: {  	s1 =	sld [smem:$0x3FA5]  }
0x28: {  	s2 =	sld [smem:$0x3FA6]  }
0x29: {  	s4 =	sld [smem:$0x3FA8]  }
0x2a: {  	p0 =	seq.s32 s5, $0x0;
	s5 =	sld [smem:$0x3FA9]  }
0x2b: {  	s6 =	sld [smem:$0x3FAA]  }
0x2c: {  	s7 =	sld [smem:$0x3FAB]  }
0x2d: {  	s3 =	simm.s32 $0x108;
	s8 =	sld [smem:$0x3FAC]  }
0x2e: {  	s3 =	simm.s32 @!p0 $0x1082;
	s9 =	sld [smem:$0x3FAD]  }
0x2f: {  	lr =	sadd.s32 s0, s3;
	s0 =	sld [smem:$0x3FA4]  }
0x30: {  	s3 =	sld [smem:$0x3FA7]  }
0x31: {  	[smem:$0x3FB0] =	sst s10  }
0x32: {  	s10 =	sld [smem:$0x3FAE];
	_ =	sdelay $0x3  }
0x33: {  	p0 =	seq.s32 s10, $0x1;
	s10 =	sld [smem:$0x3FB0];
	_ =	sdelay $0x3  }
0x34: {  	[smem:$0x3FB0] =	sst s10  }
0x35: {  	s10 =	sld [smem:$0x3FAF];
	_ =	sdelay $0x3  }
0x36: {  	p1 =	seq.s32 s10, $0x1;
	s10 =	sld [smem:$0x3FB0];
	_ =	sdelay $0x3  }
0x37: {  	[smem:$0x3FB0] =	sst s10  }
0x38: {  	s10 =	sld [smem:$0x3FB1]  }
0x39: {  	_ = 	snop;
	(pc) =	sbr.ind lr, $3  }
0x3a: {  	_ = 	snop  }
0x3b: {  	_ = 	snop  }
0x3c: {  	p2 =	seq.s32 s10, $0x1;
	s10 =	sld [smem:$0x3FB0]  }
0x3d: {  	_ =	shalt  }
0x3e: {  	_ =	shalt  }
0x3f: {  	_ =	shalt  }
0x40: {  	_ =	shalt  }
0x41: {  	_ =	shalt  }
0x42: {  	_ =	shalt  }
0x43: {  	_ =	shalt  }
0x44: {  	_ =	shalt  }
0x45: {  	_ =	shalt  }
0x46: {  	_ =	shalt  }
0x47: {  	_ =	shalt  }
0x48: {  	_ =	shalt  }
0x49: {  	_ =	shalt  }
0x4a: {  	_ =	shalt  }
0x4b: {  	_ =	shalt  }
0x4c: {  	_ =	shalt  }
0x4d: {  	_ =	shalt  }
0x4e: {  	_ =	shalt  }
0x4f: {  	_ =	shalt  }
0x50: {  	_ =	shalt  }
0x51: {  	_ =	shalt  }
0x52: {  	_ =	shalt  }
0x53: {  	_ =	shalt  }
0x54: {  	_ =	shalt  }
0x55: {  	_ =	shalt  }
0x56: {  	_ =	shalt  }
0x57: {  	_ =	shalt  }
0x58: {  	_ =	shalt  }
0x59: {  	_ =	shalt  }
0x5a: {  	_ =	shalt  }
0x5b: {  	_ =	shalt  }
0x5c: {  	_ =	shalt  }
0x5d: {  	_ =	shalt  }
0x5e: {  	_ =	shalt  }
0x5f: {  	_ =	shalt  }
0x60: {  	_ =	shalt  }
0x61: {  	_ =	shalt  }
0x62: {  	_ =	shalt  }
0x63: {  	_ =	shalt  }
0x64: {  	_ =	shalt  }
0x65: {  	_ =	shalt  }
0x66: {  	_ =	shalt  }
0x67: {  	_ =	shalt  }
0x68: {  	_ =	shalt  }
0x69: {  	_ =	shalt  }
0x6a: {  	_ =	shalt  }
0x6b: {  	_ =	shalt  }
0x6c: {  	_ =	shalt  }
0x6d: {  	_ =	shalt  }
0x6e: {  	_ =	shalt  }
0x6f: {  	_ =	shalt  }
0x70: {  	_ =	shalt  }
0x71: {  	_ =	shalt  }
0x72: {  	_ =	shalt  }
0x73: {  	_ =	shalt  }
0x74: {  	_ =	shalt  }
0x75: {  	_ =	shalt  }
0x76: {  	_ =	shalt  }
0x77: {  	_ =	shalt  }
0x78: {  	_ =	shalt  }
0x79: {  	_ =	shalt  }
0x7a: {  	_ =	shalt  }
0x7b: {  	_ =	shalt  }
0x7c: {  	_ =	shalt  }
0x7d: {  	_ =	shalt  }
0x7e: {  	_ =	shalt  }
0x7f: {  	_ =	shalt  }
0x80: {  	_ =	shalt  }
0x81: {  	_ =	shalt  }
0x82: {  	_ =	shalt  }
0x83: {  	_ =	shalt  }
0x84: {  	_ =	shalt  }
0x85: {  	_ =	shalt  }
0x86: {  	_ =	shalt  }
0x87: {  	_ =	shalt  }
.Lfunc_end0:
.L_simem_size_0:
called_computation.1_lowered:
.L_overlay_start_0:
0x88: {  	s2 =	sld [smem:$0x3FD9]  }
0x89: {  	s3 =	sld [smem:$0x3FFE];
	_ =	sdelay $0x1  }
0x8a: {  	s1 =	srdreg.scid  }
0x8b: {  	s0 =	sand.u32 $0x1, s1  }
0x8c: {  	s14 =	sshll.u32 s0, $0xA;
	s2 =	sadd.s32 s3, s2  }
0x8d: {  	s2 =	sadd.s32 s2, s14  }
0x8e: {  	[smem:$0x3FBC] =	sst s2  }
0x8f: {  	_ = 	snop  }
0x90: {  	s2 =	sld [smem:$0x3FD0];
	_ =	sdelay $0x2  }
0x91: {  	s15 =	simm.s32 $0xA;
	s4 =	simm.s32 $0x10  }
0x92: {  	[smem:s4], [sflag:s15] =	dma.local [hbm:s2], $0x1  }
0x93: {  	_ =	swait.eq [sflag:s15], $0x1  }
0x94: {  	s16 =	sld [smem:$0x10]  }
0x95: {  	s17 =	sld [smem:$0x11];
	[sflag:s15] =	ssyncset.done $0x0  }
0x96: {  	s5 =	sld [smem:$0x12];
	[sflag:s15] =	ssyncadd.s32 $0xFFFFFFFF  }
0x97: {  	s18 =	sld [smem:$0x13];
	(tm) =	ssettm $0x1  }
0x98: {  	s6 =	sld [smem:$0x3FFB];
	_ =	sdelay $0x3  }
0x99: {  	_ =	strace s6  }
0x9a: {  	s6 =	sld [smem:$0x3FFC];
	_ =	sdelay $0x3  }
0x9b: {  	_ =	strace s6  }
0x9c: {  	s6 =	sld [smem:$0x3FFD];
	_ =	sdelay $0x3  }
0x9d: {  	_ =	strace s6  }
0x9e: {  	_ =	strace $0x8FFFFFFF  }
0x9f: {  	s19 =	sld [smem:$0x3FDB];
	_ =	sdelay $0x1  }
0xa0: {  	s7 =	simm.s32 $_scs_section_size  }
0xa1: {  	s8 =	simm.s32 $_size__tile_overlayer_lowered;
	s9 =	simm.s32 $_tile_overlayer_lowered  }
0xa2: {  	s22 =	simm.s32 $0x1BFF;
	s21 =	sshll.u32 s9, $0x1;
	s6 =	sadd.s32 s7, s19  }
0xa3: {  	s10 =	simm.s32 $0x0;
	s20 =	sshll.u32 s8, $0x1;
	s8 =	sadd.s32 s21, s6  }
0xa4: {  	[timem:s10], [sflag:s22] =	dma.local [hbm:s8], s20  }
0xa5: {  	_ =	swait.ge [sflag:s22], s20  }
0xa6: {  	s7 =	ssub.s32 $0x0, s20;
	[sflag:s22] =	ssyncset.done $0x0  }
0xa7: {  	[sflag:s22] =	ssyncadd.s32 s7;
	_ =	sdelay $0x1  }
0xa8: {  	s23 =	simm.s32 $0x1B8B  }
0xa9: {  	_ =	swait.ge [sflag:s23], $0x1  }
0xaa: {  	[sflag:s23] =	ssyncset.done $0x0  }
0xab: {  	s25 =	simm.s32 $0x1B8E;
	s24 =	sld [smem:$0x3FFE];
	[sflag:s23] =	ssyncadd.s32 $0xFFFFFFFF  }
0xac: {  	s26 =	simm.s32 $execute0_lowered;
	[smem:$0x3FD2] =	sst s25  }
0xad: {  	s8 =	sshll.u32 s26, $0x1;
	_ =	strace $0x80000049;
	[dreg:$0x1] =	wrdreg $0xFFFFFFFF  }
0xae: {  	s28 =	simm.s32 $_size_execute0_lowered;
	s6 =	sadd.s32 s6, s8;
	[dreg:$0x0] =	wrdreg $0x0  }
0xaf: {  	s8 =	sshll.u32 s28, $0x1;
	[dreg:$0x2] =	wrdreg s6  }
0xb0: {  	[dreg:$0x3] =	wrdreg s8  }
0xb1: {  	[dreg:$0x4] =	wrdreg $0xC0  }
0xb2: {  	_ =	task [dreg:s10], $0x5FFFF  }
0xb3: {  	[dreg:$0x1] =	wrdreg $0xFFFFFFFF  }
0xb4: {  	[dreg:$0x0] =	wrdreg $0x60  }
0xb5: {  	[dreg:$0x2] =	wrdreg s17  }
0xb6: {  	[dreg:$0x3] =	wrdreg s5  }
0xb7: {  	[dreg:$0x4] =	wrdreg s18  }
0xb8: {  	[dreg:$0x5] =	wrdreg s24  }
0xb9: {  	[dreg:$0x6] =	wrdreg s16  }
0xba: {  	[dreg:$0x7] =	wrdreg $0x82000  }
0xbb: {  	[dreg:$0x8] =	wrdreg $0x9  }
0xbc: {  	_ =	task.clear_ibuf [dreg:s10], $0x9FFFF;
	_ =	strace $0x90000049  }
0xbd: {  	s29 =	simm.s32 $0x9;
	_ =	strace $0x8000004B  }
0xbe: {  	_ =	swait.ge [sflag:s29], $0x1  }
0xbf: {  	[sflag:s29] =	ssyncadd.s32 $0xFFFFFFFF  }
0xc0: {  	_ =	strace $0x9000004B  }
0xc1: {  	_ =	sfence  }
0xc2: {  	s30 =	sld [smem:$0x0];
	_ =	sdelay $0x2  }
0xc3: {  	s31 =	sshll.u32 s1, $0xD;
	s1 =	sshrl.u32 s1, $0x2  }
0xc4: {  	s3 =	sand.u32 $0x4000, s31;
	s1 =	sadd.s32 s1, s30  }
0xc5: {  	s0 =	sor.u32 s3, s0;
	s1 =	sshll.u32 s1, $0x11  }
0xc6: {  	s0 =	sor.u32 s1, s0  }
0xc7: {  	s0 =	sadd.s32 $0x8F2B, s0  }
0xc8: {  	[sflag:s0] =	ssyncadd.remote.s32 $0x1  }
0xc9: {  	_ =	sfence.sel $0xFFFF  }
0xca: {  	[dreg:$0x0] =	wrdreg $0xFFFFFFFF;
	(pc) =	sbr.abs _section_cstart, $3  }
0xcb: {  	[dreg:$0x1] =	wrdreg $0xFFFFFFFF  }
0xcc: {  	_ =	task.clear_ibuf [dreg:s10], $0x2FFFF;
	_ =	strace $0x9FFFFFFF  }
0xcd: {  	(tm) =	ssettm $0x7FFFFFFF  }
tec
execute0_lowered:
.L_overlay_start_1:
0x0: {  	(tag) =	ssettag $0x1  }
0x1: {  	s1 =	rddreg [dreg:$0x0]  }
0x2: {  	s8 =	rddreg [dreg:$0x1]  }
0x3: {  	s9 =	rddreg [dreg:$0x2]  }
0x4: {  	s5 =	rddreg [dreg:$0x3]  }
0x5: {  	s10 =	rddreg [dreg:$0x4]  }
0x6: {  	s2 =	rddreg [dreg:$0x5]  }
0x7: {  	s0 =	rddreg [dreg:$0x6];
	s4 =	simm.s32 $0x0;
	s3 =	stileid.u32  }
0x8: {  	s6 =	srdreg.scid;
	s16 =	simm.s32 $0x100;
	s11 =	smul.u32 $0xF, s3  }
0x9: {  	s17 =	simm.s32 $0x80;
	s18 =	simm.s32 $0x0;
	s13 =	smul.u32 $0x41, s3  }
0xa: {  	[smem:$0x7FF] =	sst s4;
	s6 =	sand.u32 $0x1, s6;
	s14 =	smul.u32 $0x50000, s3  }
0xb: {  	s5 =	sadd.s32 $0x3000, s5;
	s29 =	smul.u32 $0x14000, s3;
	s30 =	sshll.u32 s3, $0x6  }
0xc: {  	_ =	strace $0x8000004A;
	s7 =	ssub.s32 $0x2, s6;
	p0 =	seq.s32 s6, $0x0  }
0xd: {  	s26 =	smul.u32 $0x140000, s6;
	s6 =	simm.s32 $0x41;
	s12 =	sshrl.u32 s7, $0x1  }
0xe: {  	s11 =	sadd.s32 $0x410, s11;
	s28 =	sshrl.u32 s14, $0x2;
	s6 =	simm.s32 @!p0 $0xF  }
0xf: {  	s12 =	ssub.s32 s7, s12;
	s11 =	smov.u32 @p0 s13;
	s15 =	sadd.s32 s28, s2  }
0x10: {  	s7 =	sor.u32 $0x1C07, s30;
	s13 =	sadd.s32 s29, s26;
	s11 =	sshll.u32 s11, $0x4  }
0x11: {  	s31 =	sshrl.u32 s13, $0x3;
	s14 =	sshrl.u32 s15, $0x3;
	s15 =	simm.s32 $0x7  }
0x12: {  	s8 =	sadd.s32 s8, s11;
	s9 =	sadd.s32 s9, s11;
	s10 =	sadd.s32 s10, s31  }
0x13: {  	s11 =	smax.u32 s12, $0x1;
	s12 =	sadd.s32 $0x10, s9;
	s13 =	sadd.s32 $0x10, s8  }
.LBB2_1:
0x14: {  	[spmem:s14], [sflag:s7] =	dma.local [hbm:s5], $0x2800  }
0x15: {  	_ =	swait.ge [sflag:s15], $0x2800  }
0x16: {  	[sflag:s15] =	ssyncset.done $0x0  }
0x17: {  	s19 =	simm.s32 $0x1;
	p0 =	sle.u32 s6, $0x1;
	[sflag:s15] =	ssyncadd.s32 $0xFFFFD800  }
0x18: {  	s20 =	sand.u32 @!p0 $0x1, s19;
	[bflag:$0x0] =	sbarrier.arrive $0xFFFF  }
0x19: {  	[tilespmem:s4], [sflag:$0x3] =	stream.linear.gather [hbm4b:s8+s4], $0x80, $0x38;
	[tilespmem:$0x1C200] =	vst v63  }
0x1a: {  	s21 =	sshll.u32 @!p0 s20, $0x7;
	s20 =	sshll.u32 @!p0 s20, $0x1  }
0x1b: {  	[tilespmem:s16], [sflag:$0x4] =	stream.linear.gather [hbm4b:s9+s4], $0x80, $0x38;
	[tilespmem:$0x1C200] =	vst v63  }
0x1c: {  	s22 =	sand.u32 $0x1, s4;
	s24 =	simm.s32 @!p0 $0x0;
	s23 =	sadd.s32 @!p0 $0x3, s20  }
0x1d: {  	[tilespmem:s21], [sflag:s23] =	stream.linear.gather @!p0 [hbm4b:s13+s24], $0x80, $0x38;
	[tilespmem:$0x1C200] =	vst v63  }
0x1e: {  	s26 =	sshll.u32 s22, $0x1;
	s20 =	sor.u32 @!p0 $0x4, s20;
	s21 =	sor.u32 @!p0 $0x100, s21  }
0x1f: {  	[tilespmem:s21], [sflag:s20] =	stream.linear.gather @!p0 [hbm4b:s12+s24], $0x80, $0x38;
	[tilespmem:$0x1C200] =	vst v63  }
0x20: {  	s28 =	sadd.s32 $0x3, s26;
	p0 =	sne.s32 s6, $0x1  }
.Ltmp0:
0x21: {  	s31 =	sshll.u32 s22, $0xE;
	_ =	swait.ge [sflag:s28], $0x80;
	(pc) =	sbr.rel @!p0 .LBB2_3-.Ltmp0, $4  }
0x22: {  	s25 =	sadd.s32 $0x1, s22;
	s23 =	sor.u32 $0x200, s31;
	[sflag:s28] =	ssyncset.done $0x0  }
0x23: {  	s24 =	sshll.u32 s22, $0x7;
	s22 =	sor.u32 $0x4, s26;
	[sflag:s28] =	ssyncadd.s32 $0xFFFFFF80  }
0x24: {  	[tilespmem:s23], [sflag:s25] =	stream.indirect.gather [hbm4b:s1+s17], $0x80, s24, s17, $0xb8;
	[tilespmem:$0x1C200] =	vst v63  }
0x25: {  	s20 =	smov.u32 s13;
	s21 =	smov.u32 s12;
	_ =	swait.ge [sflag:s25], $0x4000  }
.LBB2_2:
0x26: {  	[sflag:s25] =	ssyncset.done $0x0;
	s26 =	smov.u32 s19;
	s19 =	sadd.s32 $0x1, s19  }
0x27: {  	s20 =	sadd.s32 $0x10, s20;
	p0 =	sge.u32 s19, s6;
	[sflag:s25] =	ssyncadd.s32 $0xFFFFC000  }
0x28: {  	s24 =	sor.u32 $0x100, s24;
	s25 =	sand.u32 @!p0 $0x1, s19;
	_ =	swait.ge [sflag:s22], $0x80  }
0x29: {  	s28 =	sshll.u32 @!p0 s25, $0x7;
	s25 =	sshll.u32 @!p0 s25, $0x1;
	[sflag:s22] =	ssyncset.done $0x0  }
0x2a: {  	s29 =	sadd.s32 @!p0 $0x3, s25;
	s30 =	sor.u32 @!p0 $0x100, s28;
	[sflag:s22] =	ssyncadd.s32 $0xFFFFFF80  }
0x2b: {  	[spmem:s2] =	stream.indirect.scatter.add.f32 [tilespmem:s23], [sflag:$0x7], $0x80, s24, s17, $0xb8;
	[tilespmem:$0x1C200] =	vst v63  }
0x2c: {  	s21 =	sadd.s32 $0x10, s21;
	s23 =	sor.u32 @!p0 $0x4, s25;
	_ =	swait.ge [sflag:s15], $0x4000  }
0x2d: {  	s24 =	sand.u32 $0x1, s26;
	s25 =	simm.s32 @!p0 $0x0;
	[sflag:s15] =	ssyncset.done $0x0  }
0x2e: {  	s22 =	sshll.u32 s24, $0x1;
	s26 =	sshll.u32 s24, $0xE;
	[sflag:s15] =	ssyncadd.s32 $0xFFFFC000  }
0x2f: {  	[tilespmem:s28], [sflag:s29] =	stream.linear.gather @!p0 [hbm4b:s20+s25], $0x80, $0x38;
	[tilespmem:$0x1C200] =	vst v63  }
0x30: {  	p1 =	sne.s32 s6, s19;
	s28 =	sadd.s32 $0x3, s22;
	s22 =	sor.u32 $0x4, s22  }
0x31: {  	[tilespmem:s30], [sflag:s23] =	stream.linear.gather @!p0 [hbm4b:s21+s25], $0x80, $0x38;
	[tilespmem:$0x1C200] =	vst v63  }
.Ltmp1:
0x32: {  	s25 =	sadd.s32 $0x1, s24;
	_ =	swait.ge [sflag:s28], $0x80;
	(pc) =	sbr.rel @p1 .LBB2_2-.Ltmp1, $4  }
0x33: {  	s24 =	sshll.u32 s24, $0x7;
	s23 =	sor.u32 $0x200, s26;
	[sflag:s28] =	ssyncset.done $0x0  }
0x34: {  	[sflag:s28] =	ssyncadd.s32 $0xFFFFFF80  }
0x35: {  	[tilespmem:s23], [sflag:s25] =	stream.indirect.gather [hbm4b:s1+s17], $0x80, s24, s17, $0xb8;
	[tilespmem:$0x1C200] =	vst v63  }
0x36: {  	_ =	swait.ge [sflag:s25], $0x4000  }
.LBB2_3:
0x37: {  	[sflag:s25] =	ssyncset.done $0x0  }
0x38: {  	[sflag:s25] =	ssyncadd.s32 $0xFFFFC000  }
0x39: {  	_ =	swait.ge [sflag:s22], $0x80  }
0x3a: {  	[sflag:s22] =	ssyncset.done $0x0  }
0x3b: {  	s19 =	sor.u32 $0x100, s24;
	[sflag:s22] =	ssyncadd.s32 $0xFFFFFF80  }
0x3c: {  	[spmem:s2] =	stream.indirect.scatter.add.f32 [tilespmem:s23], [sflag:$0x7], $0x80, s19, s17, $0xb8;
	[tilespmem:$0x1C200] =	vst v63  }
0x3d: {  	_ =	swait.ge [sflag:s15], $0x4000  }
0x3e: {  	s18 =	sadd.s32 $0x1, s18;
	[sflag:s15] =	ssyncset.done $0x0  }
0x3f: {  	p0 =	sne.s32 s18, s11;
	[sflag:s15] =	ssyncadd.s32 $0xFFFFC000  }
.Ltmp2:
0x40: {  	[bflag:$0x0] =	sbarrier.arrive $0xFFFF;
	(pc) =	sbr.rel @p0 .LBB2_1-.Ltmp2, $4  }
0x41: {  	[hbm:s10], [sflag:s7] =	dma.local [spmem:s14], $0x2800  }
0x42: {  	_ =	swait.ge [sflag:s15], $0x2800  }
0x43: {  	[sflag:s15] =	ssyncset.done $0x0  }
0x44: {  	[sflag:s15] =	ssyncadd.s32 $0xFFFFD800  }
0x45: {  	_ =	sfence.sel $0x180000  }
0x46: {  	[bflag:$0x0] =	sbarrier.arrive $0xFFFF  }
0x47: {  	p0 =	sne.s32 s3, $0x0;
	_ =	strace $0x9000004A  }
0x48: {  	s0 =	sadd.s32 @!p0 $0x100000, s0;
	[bflag:$0x2] =	sbarrier.arrive $0xFFFF  }
0x49: {  	[sflag:s0] =	ssyncadd.tile.s32 @!p0 $0x1;
	_ =	shalt  }
.Lfunc_end2:
_tile_overlayer_lowered:
.L_overlay_start_2:
0x4a: {  	(tag) =	ssettag $0x2  }
0x4b: {  	s0 =	rddreg [dreg:$0x0];
	s2 =	stileid.u32  }
0x4c: {  	s1 =	rddreg [dreg:$0x1];
	p0 =	sne.s32 s2, $0x0  }
0x4d: {  	s3 =	rddreg [dreg:$0x2];
	[bflag:$0x3] =	sbarrier.arrive $0xFFFF;
	s2 =	simm.s32 @!p0 $0x1C07  }
0x4e: {  	[timem:s3], [sflag:s2] =	dma.local @!p0 [hbm:s0], s1  }
0x4f: {  	s0 =	simm.s32 @!p0 $0x7  }
0x50: {  	_ =	swait.ge @!p0 [sflag:s0], s1  }
0x51: {  	s1 =	ssub.s32 @!p0 $0x0, s1;
	[sflag:s0] =	ssyncset.done @!p0 $0x0  }
0x52: {  	[sflag:s0] =	ssyncadd.s32 @!p0 s1  }
0x53: {  	[bflag:$0x3] =	sbarrier.arrive $0xFFFF  }
0x54: {  	_ =	shalt  }

// kernel: kernel.15.cloned.1.call-start
scs
__scs_entry_jumppad:
0x0: {  	(pc) =	sbr.rel $0x88, $3  }
0x1: {  	(tag) =	ssettag $0x0;
	lr =	simm.s32 $0x1  }
0x2: {  	[smem:$0x3F95] =	sst lr;
	_ =	strace $0xD0000000  }
0x3: {  	_ = 	snop  }
0x4: {  	_ = 	snop  }
0x5: {  	_ = 	snop  }
0x6: {  	_ = 	snop  }
0x7: {  	_ = 	snop  }
__scs_overlays_trampoline_lowered:
0x8: {  	[smem:$0x3FA4] =	sst s0  }
0x9: {  	[smem:$0x3FA5] =	sst s1  }
0xa: {  	[smem:$0x3FA6] =	sst s2  }
0xb: {  	[smem:$0x3FA7] =	sst s3  }
0xc: {  	[smem:$0x3FA8] =	sst s4  }
0xd: {  	[smem:$0x3FA9] =	sst s5  }
0xe: {  	[smem:$0x3FAA] =	sst s6  }
0xf: {  	[smem:$0x3FAB] =	sst s7  }
0x10: {  	[smem:$0x3FAC] =	sst s8  }
0x11: {  	[smem:$0x3FAD] =	sst s9;
	s0 =	simm.s32 @!p0 $0x0  }
0x12: {  	s1 =	sld [smem:$0x3F93];
	s0 =	simm.s32 @p0 $0x1  }
0x13: {  	[smem:$0x3FAE] =	sst s0;
	s0 =	simm.s32 @!p1 $0x0  }
0x14: {  	s2 =	sld [smem:$0x3F92];
	s0 =	simm.s32 @p1 $0x1  }
0x15: {  	[smem:$0x3FAF] =	sst s0;
	s0 =	simm.s32 @!p2 $0x0  }
0x16: {  	s3 =	sld [smem:$0x3FDB];
	s0 =	simm.s32 @p2 $0x1  }
0x17: {  	s4 =	simm.s32 $0x1BF5;
	[smem:$0x3FB1] =	sst s0  }
0x18: {  	s0 =	sld [smem:$0x3F94];
	_ =	swait.ge [sflag:s4], $0x0  }
0x19: {  	s7 =	sld [smem:$0x3F95]  }
0x1a: {  	s8 =	sadd.s32 $0xFFFFE003, lr  }
0x1b: {  	s9 =	sadd.s32 $0xFFFFFEF7, lr;
	s5 =	simm.s32 $0xFFFFFFFF;
	p2 =	slt.u32 s8, $0xFFFFF086  }
0x1c: {  	p1 =	slt.u32 s9, $0xF7A;
	s5 =	simm.s32 @!p2 $0x0  }
0x1d: {  	s5 =	simm.s32 @p1 $0x1;
	p0 =	seq.s32 s7, s2  }
0x1e: {  	s7 =	smul.u32 @!p0 $0xF7A, s2;
	p2 =	seq.s32 @!p0 s5, $0x0  }
0x1f: {  	s9 =	smul.u32 $0xF7A, s1;
	s8 =	simm.s32 @!p0 $0x1BF5;
	p2 =	por !p2, p0  }
0x20: {  	[sflag:s8] =	ssyncset.s32 @!p0 $0xFFFFF086;
	s6 =	sadd.s32 @!p0 s3, s7;
	s7 =	simm.s32 @!p0 $0x108  }
0x21: {  	s3 =	sadd.s32 s3, s9;
	s6 =	sadd.s32 @!p0 $0x88, s6;
	s7 =	simm.s32 @p2 $0x1082  }
0x22: {  	[simem:s7], [sflag:s8] =	dma.local @!p0 [hbm:s6], $0xF7A  }
0x23: {  	s9 =	sor.u32 $0xD0000000, s2;
	s6 =	simm.s32 $0x108;
	_ =	swait.ge @!p0 [sflag:s8], $0x0  }
0x24: {  	s3 =	sadd.s32 $0x88, s3;
	s6 =	simm.s32 @!p1 $0x1082;
	[sflag:s4] =	ssyncset.s32 $0xFFFFF086  }
0x25: {  	[simem:s6], [sflag:s4] =	dma.local [hbm:s3], $0xF7A  }
0x26: {  	[smem:$0x3F95] =	sst s1;
	(tag) =	ssettag s2;
	_ =	strace s9  }
0x27: {  	s1 =	sld [smem:$0x3FA5]  }
0x28: {  	s2 =	sld [smem:$0x3FA6]  }
0x29: {  	s4 =	sld [smem:$0x3FA8]  }
0x2a: {  	p0 =	seq.s32 s5, $0x0;
	s5 =	sld [smem:$0x3FA9]  }
0x2b: {  	s6 =	sld [smem:$0x3FAA]  }
0x2c: {  	s7 =	sld [smem:$0x3FAB]  }
0x2d: {  	s3 =	simm.s32 $0x108;
	s8 =	sld [smem:$0x3FAC]  }
0x2e: {  	s3 =	simm.s32 @!p0 $0x1082;
	s9 =	sld [smem:$0x3FAD]  }
0x2f: {  	lr =	sadd.s32 s0, s3;
	s0 =	sld [smem:$0x3FA4]  }
0x30: {  	s3 =	sld [smem:$0x3FA7]  }
0x31: {  	[smem:$0x3FB0] =	sst s10  }
0x32: {  	s10 =	sld [smem:$0x3FAE];
	_ =	sdelay $0x3  }
0x33: {  	p0 =	seq.s32 s10, $0x1;
	s10 =	sld [smem:$0x3FB0];
	_ =	sdelay $0x3  }
0x34: {  	[smem:$0x3FB0] =	sst s10  }
0x35: {  	s10 =	sld [smem:$0x3FAF];
	_ =	sdelay $0x3  }
0x36: {  	p1 =	seq.s32 s10, $0x1;
	s10 =	sld [smem:$0x3FB0];
	_ =	sdelay $0x3  }
0x37: {  	[smem:$0x3FB0] =	sst s10  }
0x38: {  	s10 =	sld [smem:$0x3FB1]  }
0x39: {  	_ = 	snop;
	(pc) =	sbr.ind lr, $3  }
0x3a: {  	_ = 	snop  }
0x3b: {  	_ = 	snop  }
0x3c: {  	p2 =	seq.s32 s10, $0x1;
	s10 =	sld [smem:$0x3FB0]  }
0x3d: {  	_ =	shalt  }
0x3e: {  	_ =	shalt  }
0x3f: {  	_ =	shalt  }
0x40: {  	_ =	shalt  }
0x41: {  	_ =	shalt  }
0x42: {  	_ =	shalt  }
0x43: {  	_ =	shalt  }
0x44: {  	_ =	shalt  }
0x45: {  	_ =	shalt  }
0x46: {  	_ =	shalt  }
0x47: {  	_ =	shalt  }
0x48: {  	_ =	shalt  }
0x49: {  	_ =	shalt  }
0x4a: {  	_ =	shalt  }
0x4b: {  	_ =	shalt  }
0x4c: {  	_ =	shalt  }
0x4d: {  	_ =	shalt  }
0x4e: {  	_ =	shalt  }
0x4f: {  	_ =	shalt  }
0x50: {  	_ =	shalt  }
0x51: {  	_ =	shalt  }
0x52: {  	_ =	shalt  }
0x53: {  	_ =	shalt  }
0x54: {  	_ =	shalt  }
0x55: {  	_ =	shalt  }
0x56: {  	_ =	shalt  }
0x57: {  	_ =	shalt  }
0x58: {  	_ =	shalt  }
0x59: {  	_ =	shalt  }
0x5a: {  	_ =	shalt  }
0x5b: {  	_ =	shalt  }
0x5c: {  	_ =	shalt  }
0x5d: {  	_ =	shalt  }
0x5e: {  	_ =	shalt  }
0x5f: {  	_ =	shalt  }
0x60: {  	_ =	shalt  }
0x61: {  	_ =	shalt  }
0x62: {  	_ =	shalt  }
0x63: {  	_ =	shalt  }
0x64: {  	_ =	shalt  }
0x65: {  	_ =	shalt  }
0x66: {  	_ =	shalt  }
0x67: {  	_ =	shalt  }
0x68: {  	_ =	shalt  }
0x69: {  	_ =	shalt  }
0x6a: {  	_ =	shalt  }
0x6b: {  	_ =	shalt  }
0x6c: {  	_ =	shalt  }
0x6d: {  	_ =	shalt  }
0x6e: {  	_ =	shalt  }
0x6f: {  	_ =	shalt  }
0x70: {  	_ =	shalt  }
0x71: {  	_ =	shalt  }
0x72: {  	_ =	shalt  }
0x73: {  	_ =	shalt  }
0x74: {  	_ =	shalt  }
0x75: {  	_ =	shalt  }
0x76: {  	_ =	shalt  }
0x77: {  	_ =	shalt  }
0x78: {  	_ =	shalt  }
0x79: {  	_ =	shalt  }
0x7a: {  	_ =	shalt  }
0x7b: {  	_ =	shalt  }
0x7c: {  	_ =	shalt  }
0x7d: {  	_ =	shalt  }
0x7e: {  	_ =	shalt  }
0x7f: {  	_ =	shalt  }
0x80: {  	_ =	shalt  }
0x81: {  	_ =	shalt  }
0x82: {  	_ =	shalt  }
0x83: {  	_ =	shalt  }
0x84: {  	_ =	shalt  }
0x85: {  	_ =	shalt  }
0x86: {  	_ =	shalt  }
0x87: {  	_ =	shalt  }
.Lfunc_end0:
.L_simem_size_0:
called_computation.2_lowered:
.L_overlay_start_0:
0x88: {  	s2 =	sld [smem:$0x3FD9]  }
0x89: {  	s3 =	sld [smem:$0x3FFE];
	_ =	sdelay $0x1  }
0x8a: {  	s1 =	srdreg.scid  }
0x8b: {  	s0 =	sand.u32 $0x1, s1  }
0x8c: {  	s14 =	sshll.u32 s0, $0xA;
	s2 =	sadd.s32 s3, s2  }
0x8d: {  	s2 =	sadd.s32 s2, s14  }
0x8e: {  	[smem:$0x3FBC] =	sst s2  }
0x8f: {  	_ = 	snop  }
0x90: {  	s2 =	sld [smem:$0x3FD0];
	_ =	sdelay $0x2  }
0x91: {  	s15 =	simm.s32 $0xA;
	s4 =	simm.s32 $0x10  }
0x92: {  	[smem:s4], [sflag:s15] =	dma.local [hbm:s2], $0x1  }
0x93: {  	_ =	swait.eq [sflag:s15], $0x1  }
0x94: {  	s16 =	sld [smem:$0x10]  }
0x95: {  	s17 =	sld [smem:$0x11];
	[sflag:s15] =	ssyncset.done $0x0  }
0x96: {  	s5 =	sld [smem:$0x12];
	[sflag:s15] =	ssyncadd.s32 $0xFFFFFFFF  }
0x97: {  	s18 =	sld [smem:$0x13];
	(tm) =	ssettm $0x1  }
0x98: {  	s6 =	sld [smem:$0x3FFB];
	_ =	sdelay $0x3  }
0x99: {  	_ =	strace s6  }
0x9a: {  	s6 =	sld [smem:$0x3FFC];
	_ =	sdelay $0x3  }
0x9b: {  	_ =	strace s6  }
0x9c: {  	s6 =	sld [smem:$0x3FFD];
	_ =	sdelay $0x3  }
0x9d: {  	_ =	strace s6  }
0x9e: {  	_ =	strace $0x8FFFFFFF  }
0x9f: {  	s19 =	sld [smem:$0x3FDB];
	_ =	sdelay $0x1  }
0xa0: {  	s7 =	simm.s32 $_scs_section_size  }
0xa1: {  	s8 =	simm.s32 $_size__tile_overlayer_lowered;
	s9 =	simm.s32 $_tile_overlayer_lowered  }
0xa2: {  	s22 =	simm.s32 $0x1BFF;
	s21 =	sshll.u32 s9, $0x1;
	s6 =	sadd.s32 s7, s19  }
0xa3: {  	s10 =	simm.s32 $0x0;
	s20 =	sshll.u32 s8, $0x1;
	s8 =	sadd.s32 s21, s6  }
0xa4: {  	[timem:s10], [sflag:s22] =	dma.local [hbm:s8], s20  }
0xa5: {  	_ =	swait.ge [sflag:s22], s20  }
0xa6: {  	s7 =	ssub.s32 $0x0, s20;
	[sflag:s22] =	ssyncset.done $0x0  }
0xa7: {  	[sflag:s22] =	ssyncadd.s32 s7;
	_ =	sdelay $0x1  }
0xa8: {  	s23 =	simm.s32 $0x1B8B  }
0xa9: {  	_ =	swait.ge [sflag:s23], $0x1  }
0xaa: {  	[sflag:s23] =	ssyncset.done $0x0  }
0xab: {  	s25 =	simm.s32 $0x1B8E;
	s24 =	sld [smem:$0x3FFE];
	[sflag:s23] =	ssyncadd.s32 $0xFFFFFFFF  }
0xac: {  	s26 =	simm.s32 $execute0_lowered;
	[smem:$0x3FD2] =	sst s25  }
0xad: {  	s8 =	sshll.u32 s26, $0x1;
	_ =	strace $0x8000004C;
	[dreg:$0x1] =	wrdreg $0xFFFFFFFF  }
0xae: {  	s28 =	simm.s32 $_size_execute0_lowered;
	s6 =	sadd.s32 s6, s8;
	[dreg:$0x0] =	wrdreg $0x0  }
0xaf: {  	s8 =	sshll.u32 s28, $0x1;
	[dreg:$0x2] =	wrdreg s6  }
0xb0: {  	[dreg:$0x3] =	wrdreg s8  }
0xb1: {  	[dreg:$0x4] =	wrdreg $0xC0  }
0xb2: {  	_ =	task [dreg:s10], $0x5FFFF  }
0xb3: {  	[dreg:$0x1] =	wrdreg $0xFFFFFFFF  }
0xb4: {  	[dreg:$0x0] =	wrdreg $0x60  }
0xb5: {  	[dreg:$0x2] =	wrdreg s17  }
0xb6: {  	[dreg:$0x3] =	wrdreg s5  }
0xb7: {  	[dreg:$0x4] =	wrdreg s18  }
0xb8: {  	[dreg:$0x5] =	wrdreg s24  }
0xb9: {  	[dreg:$0x6] =	wrdreg s16  }
0xba: {  	[dreg:$0x7] =	wrdreg $0x82000  }
0xbb: {  	[dreg:$0x8] =	wrdreg $0x9  }
0xbc: {  	_ =	task.clear_ibuf [dreg:s10], $0x9FFFF;
	_ =	strace $0x9000004C  }
0xbd: {  	s29 =	simm.s32 $0x9;
	_ =	strace $0x8000004E  }
0xbe: {  	_ =	swait.ge [sflag:s29], $0x1  }
0xbf: {  	[sflag:s29] =	ssyncadd.s32 $0xFFFFFFFF  }
0xc0: {  	_ =	strace $0x9000004E  }
0xc1: {  	_ =	sfence  }
0xc2: {  	s30 =	sld [smem:$0x0];
	_ =	sdelay $0x2  }
0xc3: {  	s31 =	sshll.u32 s1, $0xD;
	s1 =	sshrl.u32 s1, $0x2  }
0xc4: {  	s3 =	sand.u32 $0x4000, s31;
	s1 =	sadd.s32 s1, s30  }
0xc5: {  	s0 =	sor.u32 s3, s0;
	s1 =	sshll.u32 s1, $0x11  }
0xc6: {  	s0 =	sor.u32 s1, s0  }
0xc7: {  	s0 =	sadd.s32 $0x8F2B, s0  }
0xc8: {  	[sflag:s0] =	ssyncadd.remote.s32 $0x1  }
0xc9: {  	_ =	sfence.sel $0xFFFF  }
0xca: {  	[dreg:$0x0] =	wrdreg $0xFFFFFFFF;
	(pc) =	sbr.abs _section_cstart, $3  }
0xcb: {  	[dreg:$0x1] =	wrdreg $0xFFFFFFFF  }
0xcc: {  	_ =	task.clear_ibuf [dreg:s10], $0x2FFFF;
	_ =	strace $0x9FFFFFFF  }
0xcd: {  	(tm) =	ssettm $0x7FFFFFFF  }
tec
execute0_lowered:
.L_overlay_start_1:
0x0: {  	(tag) =	ssettag $0x1  }
0x1: {  	s1 =	rddreg [dreg:$0x0]  }
0x2: {  	s8 =	rddreg [dreg:$0x1]  }
0x3: {  	s9 =	rddreg [dreg:$0x2]  }
0x4: {  	s5 =	rddreg [dreg:$0x3]  }
0x5: {  	s10 =	rddreg [dreg:$0x4]  }
0x6: {  	s2 =	rddreg [dreg:$0x5]  }
0x7: {  	s0 =	rddreg [dreg:$0x6];
	s4 =	simm.s32 $0x0;
	s3 =	stileid.u32  }
0x8: {  	s6 =	srdreg.scid;
	s16 =	simm.s32 $0x100;
	s11 =	smul.u32 $0xF, s3  }
0x9: {  	s17 =	simm.s32 $0x80;
	s18 =	simm.s32 $0x0;
	s13 =	smul.u32 $0x41, s3  }
0xa: {  	[smem:$0x7FF] =	sst s4;
	s6 =	sand.u32 $0x1, s6;
	s14 =	smul.u32 $0x50000, s3  }
0xb: {  	s5 =	sadd.s32 $0x3000, s5;
	s29 =	smul.u32 $0x14000, s3;
	s30 =	sshll.u32 s3, $0x6  }
0xc: {  	_ =	strace $0x8000004D;
	s7 =	ssub.s32 $0x2, s6;
	p0 =	seq.s32 s6, $0x0  }
0xd: {  	s26 =	smul.u32 $0x140000, s6;
	s6 =	simm.s32 $0x41;
	s12 =	sshrl.u32 s7, $0x1  }
0xe: {  	s11 =	sadd.s32 $0x410, s11;
	s28 =	sshrl.u32 s14, $0x2;
	s6 =	simm.s32 @!p0 $0xF  }
0xf: {  	s12 =	ssub.s32 s7, s12;
	s11 =	smov.u32 @p0 s13;
	s15 =	sadd.s32 s28, s2  }
0x10: {  	s7 =	sor.u32 $0x1C07, s30;
	s13 =	sadd.s32 s29, s26;
	s11 =	sshll.u32 s11, $0x4  }
0x11: {  	s31 =	sshrl.u32 s13, $0x3;
	s14 =	sshrl.u32 s15, $0x3;
	s15 =	simm.s32 $0x7  }
0x12: {  	s8 =	sadd.s32 s8, s11;
	s9 =	sadd.s32 s9, s11;
	s10 =	sadd.s32 s10, s31  }
0x13: {  	s11 =	smax.u32 s12, $0x1;
	s12 =	sadd.s32 $0x10, s9;
	s13 =	sadd.s32 $0x10, s8  }
.LBB2_1:
0x14: {  	[spmem:s14], [sflag:s7] =	dma.local [hbm:s5], $0x2800  }
0x15: {  	_ =	swait.ge [sflag:s15], $0x2800  }
0x16: {  	[sflag:s15] =	ssyncset.done $0x0  }
0x17: {  	s19 =	simm.s32 $0x1;
	p0 =	sle.u32 s6, $0x1;
	[sflag:s15] =	ssyncadd.s32 $0xFFFFD800  }
0x18: {  	s20 =	sand.u32 @!p0 $0x1, s19;
	[bflag:$0x0] =	sbarrier.arrive $0xFFFF  }
0x19: {  	[tilespmem:s4], [sflag:$0x3] =	stream.linear.gather [hbm4b:s8+s4], $0x80, $0x38;
	[tilespmem:$0x1C200] =	vst v63  }
0x1a: {  	s21 =	sshll.u32 @!p0 s20, $0x7;
	s20 =	sshll.u32 @!p0 s20, $0x1  }
0x1b: {  	[tilespmem:s16], [sflag:$0x4] =	stream.linear.gather [hbm4b:s9+s4], $0x80, $0x38;
	[tilespmem:$0x1C200] =	vst v63  }
0x1c: {  	s22 =	sand.u32 $0x1, s4;
	s24 =	simm.s32 @!p0 $0x0;
	s23 =	sadd.s32 @!p0 $0x3, s20  }
0x1d: {  	[tilespmem:s21], [sflag:s23] =	stream.linear.gather @!p0 [hbm4b:s13+s24], $0x80, $0x38;
	[tilespmem:$0x1C200] =	vst v63  }
0x1e: {  	s26 =	sshll.u32 s22, $0x1;
	s20 =	sor.u32 @!p0 $0x4, s20;
	s21 =	sor.u32 @!p0 $0x100, s21  }
0x1f: {  	[tilespmem:s21], [sflag:s20] =	stream.linear.gather @!p0 [hbm4b:s12+s24], $0x80, $0x38;
	[tilespmem:$0x1C200] =	vst v63  }
0x20: {  	s28 =	sadd.s32 $0x3, s26;
	p0 =	sne.s32 s6, $0x1  }
.Ltmp0:
0x21: {  	s31 =	sshll.u32 s22, $0xE;
	_ =	swait.ge [sflag:s28], $0x80;
	(pc) =	sbr.rel @!p0 .LBB2_3-.Ltmp0, $4  }
0x22: {  	s25 =	sadd.s32 $0x1, s22;
	s23 =	sor.u32 $0x200, s31;
	[sflag:s28] =	ssyncset.done $0x0  }
0x23: {  	s24 =	sshll.u32 s22, $0x7;
	s22 =	sor.u32 $0x4, s26;
	[sflag:s28] =	ssyncadd.s32 $0xFFFFFF80  }
0x24: {  	[tilespmem:s23], [sflag:s25] =	stream.indirect.gather [hbm4b:s1+s17], $0x80, s24, s17, $0xb8;
	[tilespmem:$0x1C200] =	vst v63  }
0x25: {  	s20 =	smov.u32 s13;
	s21 =	smov.u32 s12;
	_ =	swait.ge [sflag:s25], $0x4000  }
.LBB2_2:
0x26: {  	[sflag:s25] =	ssyncset.done $0x0;
	s26 =	smov.u32 s19;
	s19 =	sadd.s32 $0x1, s19  }
0x27: {  	s20 =	sadd.s32 $0x10, s20;
	p0 =	sge.u32 s19, s6;
	[sflag:s25] =	ssyncadd.s32 $0xFFFFC000  }
0x28: {  	s24 =	sor.u32 $0x100, s24;
	s25 =	sand.u32 @!p0 $0x1, s19;
	_ =	swait.ge [sflag:s22], $0x80  }
0x29: {  	s28 =	sshll.u32 @!p0 s25, $0x7;
	s25 =	sshll.u32 @!p0 s25, $0x1;
	[sflag:s22] =	ssyncset.done $0x0  }
0x2a: {  	s29 =	sadd.s32 @!p0 $0x3, s25;
	s30 =	sor.u32 @!p0 $0x100, s28;
	[sflag:s22] =	ssyncadd.s32 $0xFFFFFF80  }
0x2b: {  	[spmem:s2] =	stream.indirect.scatter.add.f32 [tilespmem:s23], [sflag:$0x7], $0x80, s24, s17, $0xb8;
	[tilespmem:$0x1C200] =	vst v63  }
0x2c: {  	s21 =	sadd.s32 $0x10, s21;
	s23 =	sor.u32 @!p0 $0x4, s25;
	_ =	swait.ge [sflag:s15], $0x4000  }
0x2d: {  	s24 =	sand.u32 $0x1, s26;
	s25 =	simm.s32 @!p0 $0x0;
	[sflag:s15] =	ssyncset.done $0x0  }
0x2e: {  	s22 =	sshll.u32 s24, $0x1;
	s26 =	sshll.u32 s24, $0xE;
	[sflag:s15] =	ssyncadd.s32 $0xFFFFC000  }
0x2f: {  	[tilespmem:s28], [sflag:s29] =	stream.linear.gather @!p0 [hbm4b:s20+s25], $0x80, $0x38;
	[tilespmem:$0x1C200] =	vst v63  }
0x30: {  	p1 =	sne.s32 s6, s19;
	s28 =	sadd.s32 $0x3, s22;
	s22 =	sor.u32 $0x4, s22  }
0x31: {  	[tilespmem:s30], [sflag:s23] =	stream.linear.gather @!p0 [hbm4b:s21+s25], $0x80, $0x38;
	[tilespmem:$0x1C200] =	vst v63  }
.Ltmp1:
0x32: {  	s25 =	sadd.s32 $0x1, s24;
	_ =	swait.ge [sflag:s28], $0x80;
	(pc) =	sbr.rel @p1 .LBB2_2-.Ltmp1, $4  }
0x33: {  	s24 =	sshll.u32 s24, $0x7;
	s23 =	sor.u32 $0x200, s26;
	[sflag:s28] =	ssyncset.done $0x0  }
0x34: {  	[sflag:s28] =	ssyncadd.s32 $0xFFFFFF80  }
0x35: {  	[tilespmem:s23], [sflag:s25] =	stream.indirect.gather [hbm4b:s1+s17], $0x80, s24, s17, $0xb8;
	[tilespmem:$0x1C200] =	vst v63  }
0x36: {  	_ =	swait.ge [sflag:s25], $0x4000  }
.LBB2_3:
0x37: {  	[sflag:s25] =	ssyncset.done $0x0  }
0x38: {  	[sflag:s25] =	ssyncadd.s32 $0xFFFFC000  }
0x39: {  	_ =	swait.ge [sflag:s22], $0x80  }
0x3a: {  	[sflag:s22] =	ssyncset.done $0x0  }
0x3b: {  	s19 =	sor.u32 $0x100, s24;
	[sflag:s22] =	ssyncadd.s32 $0xFFFFFF80  }
0x3c: {  	[spmem:s2] =	stream.indirect.scatter.add.f32 [tilespmem:s23], [sflag:$0x7], $0x80, s19, s17, $0xb8;
	[tilespmem:$0x1C200] =	vst v63  }
0x3d: {  	_ =	swait.ge [sflag:s15], $0x4000  }
0x3e: {  	s18 =	sadd.s32 $0x1, s18;
	[sflag:s15] =	ssyncset.done $0x0  }
0x3f: {  	p0 =	sne.s32 s18, s11;
	[sflag:s15] =	ssyncadd.s32 $0xFFFFC000  }
.Ltmp2:
0x40: {  	[bflag:$0x0] =	sbarrier.arrive $0xFFFF;
	(pc) =	sbr.rel @p0 .LBB2_1-.Ltmp2, $4  }
0x41: {  	[hbm:s10], [sflag:s7] =	dma.local [spmem:s14], $0x2800  }
0x42: {  	_ =	swait.ge [sflag:s15], $0x2800  }
0x43: {  	[sflag:s15] =	ssyncset.done $0x0  }
0x44: {  	[sflag:s15] =	ssyncadd.s32 $0xFFFFD800  }
0x45: {  	_ =	sfence.sel $0x180000  }
0x46: {  	[bflag:$0x0] =	sbarrier.arrive $0xFFFF  }
0x47: {  	p0 =	sne.s32 s3, $0x0;
	_ =	strace $0x9000004D  }
0x48: {  	s0 =	sadd.s32 @!p0 $0x100000, s0;
	[bflag:$0x2] =	sbarrier.arrive $0xFFFF  }
0x49: {  	[sflag:s0] =	ssyncadd.tile.s32 @!p0 $0x1;
	_ =	shalt  }
.Lfunc_end2:
_tile_overlayer_lowered:
.L_overlay_start_2:
0x4a: {  	(tag) =	ssettag $0x2  }
0x4b: {  	s0 =	rddreg [dreg:$0x0];
	s2 =	stileid.u32  }
0x4c: {  	s1 =	rddreg [dreg:$0x1];
	p0 =	sne.s32 s2, $0x0  }
0x4d: {  	s3 =	rddreg [dreg:$0x2];
	[bflag:$0x3] =	sbarrier.arrive $0xFFFF;
	s2 =	simm.s32 @!p0 $0x1C07  }
0x4e: {  	[timem:s3], [sflag:s2] =	dma.local @!p0 [hbm:s0], s1  }
0x4f: {  	s0 =	simm.s32 @!p0 $0x7  }
0x50: {  	_ =	swait.ge @!p0 [sflag:s0], s1  }
0x51: {  	s1 =	ssub.s32 @!p0 $0x0, s1;
	[sflag:s0] =	ssyncset.done @!p0 $0x0  }
0x52: {  	[sflag:s0] =	ssyncadd.s32 @!p0 s1  }
0x53: {  	[bflag:$0x3] =	sbarrier.arrive $0xFFFF  }
0x54: {  	_ =	shalt  }

// kernel: kernel.9.cloned.1.call-start
scs
__scs_entry_jumppad:
0x0: {  	(pc) =	sbr.rel $0x88, $3  }
0x1: {  	(tag) =	ssettag $0x0;
	lr =	simm.s32 $0x1  }
0x2: {  	[smem:$0x3F95] =	sst lr;
	_ =	strace $0xD0000000  }
0x3: {  	_ = 	snop  }
0x4: {  	_ = 	snop  }
0x5: {  	_ = 	snop  }
0x6: {  	_ = 	snop  }
0x7: {  	_ = 	snop  }
__scs_overlays_trampoline_lowered:
0x8: {  	[smem:$0x3FA4] =	sst s0  }
0x9: {  	[smem:$0x3FA5] =	sst s1  }
0xa: {  	[smem:$0x3FA6] =	sst s2  }
0xb: {  	[smem:$0x3FA7] =	sst s3  }
0xc: {  	[smem:$0x3FA8] =	sst s4  }
0xd: {  	[smem:$0x3FA9] =	sst s5  }
0xe: {  	[smem:$0x3FAA] =	sst s6  }
0xf: {  	[smem:$0x3FAB] =	sst s7  }
0x10: {  	[smem:$0x3FAC] =	sst s8  }
0x11: {  	[smem:$0x3FAD] =	sst s9;
	s0 =	simm.s32 @!p0 $0x0  }
0x12: {  	s1 =	sld [smem:$0x3F93];
	s0 =	simm.s32 @p0 $0x1  }
0x13: {  	[smem:$0x3FAE] =	sst s0;
	s0 =	simm.s32 @!p1 $0x0  }
0x14: {  	s2 =	sld [smem:$0x3F92];
	s0 =	simm.s32 @p1 $0x1  }
0x15: {  	[smem:$0x3FAF] =	sst s0;
	s0 =	simm.s32 @!p2 $0x0  }
0x16: {  	s3 =	sld [smem:$0x3FDB];
	s0 =	simm.s32 @p2 $0x1  }
0x17: {  	s4 =	simm.s32 $0x1BF5;
	[smem:$0x3FB1] =	sst s0  }
0x18: {  	s0 =	sld [smem:$0x3F94];
	_ =	swait.ge [sflag:s4], $0x0  }
0x19: {  	s7 =	sld [smem:$0x3F95]  }
0x1a: {  	s8 =	sadd.s32 $0xFFFFE003, lr  }
0x1b: {  	s9 =	sadd.s32 $0xFFFFFEF7, lr;
	s5 =	simm.s32 $0xFFFFFFFF;
	p2 =	slt.u32 s8, $0xFFFFF086  }
0x1c: {  	p1 =	slt.u32 s9, $0xF7A;
	s5 =	simm.s32 @!p2 $0x0  }
0x1d: {  	s5 =	simm.s32 @p1 $0x1;
	p0 =	seq.s32 s7, s2  }
0x1e: {  	s7 =	smul.u32 @!p0 $0xF7A, s2;
	p2 =	seq.s32 @!p0 s5, $0x0  }
0x1f: {  	s9 =	smul.u32 $0xF7A, s1;
	s8 =	simm.s32 @!p0 $0x1BF5;
	p2 =	por !p2, p0  }
0x20: {  	[sflag:s8] =	ssyncset.s32 @!p0 $0xFFFFF086;
	s6 =	sadd.s32 @!p0 s3, s7;
	s7 =	simm.s32 @!p0 $0x108  }
0x21: {  	s3 =	sadd.s32 s3, s9;
	s6 =	sadd.s32 @!p0 $0x88, s6;
	s7 =	simm.s32 @p2 $0x1082  }
0x22: {  	[simem:s7], [sflag:s8] =	dma.local @!p0 [hbm:s6], $0xF7A  }
0x23: {  	s9 =	sor.u32 $0xD0000000, s2;
	s6 =	simm.s32 $0x108;
	_ =	swait.ge @!p0 [sflag:s8], $0x0  }
0x24: {  	s3 =	sadd.s32 $0x88, s3;
	s6 =	simm.s32 @!p1 $0x1082;
	[sflag:s4] =	ssyncset.s32 $0xFFFFF086  }
0x25: {  	[simem:s6], [sflag:s4] =	dma.local [hbm:s3], $0xF7A  }
0x26: {  	[smem:$0x3F95] =	sst s1;
	(tag) =	ssettag s2;
	_ =	strace s9  }
0x27: {  	s1 =	sld [smem:$0x3FA5]  }
0x28: {  	s2 =	sld [smem:$0x3FA6]  }
0x29: {  	s4 =	sld [smem:$0x3FA8]  }
0x2a: {  	p0 =	seq.s32 s5, $0x0;
	s5 =	sld [smem:$0x3FA9]  }
0x2b: {  	s6 =	sld [smem:$0x3FAA]  }
0x2c: {  	s7 =	sld [smem:$0x3FAB]  }
0x2d: {  	s3 =	simm.s32 $0x108;
	s8 =	sld [smem:$0x3FAC]  }
0x2e: {  	s3 =	simm.s32 @!p0 $0x1082;
	s9 =	sld [smem:$0x3FAD]  }
0x2f: {  	lr =	sadd.s32 s0, s3;
	s0 =	sld [smem:$0x3FA4]  }
0x30: {  	s3 =	sld [smem:$0x3FA7]  }
0x31: {  	[smem:$0x3FB0] =	sst s10  }
0x32: {  	s10 =	sld [smem:$0x3FAE];
	_ =	sdelay $0x3  }
0x33: {  	p0 =	seq.s32 s10, $0x1;
	s10 =	sld [smem:$0x3FB0];
	_ =	sdelay $0x3  }
0x34: {  	[smem:$0x3FB0] =	sst s10  }
0x35: {  	s10 =	sld [smem:$0x3FAF];
	_ =	sdelay $0x3  }
0x36: {  	p1 =	seq.s32 s10, $0x1;
	s10 =	sld [smem:$0x3FB0];
	_ =	sdelay $0x3  }
0x37: {  	[smem:$0x3FB0] =	sst s10  }
0x38: {  	s10 =	sld [smem:$0x3FB1]  }
0x39: {  	_ = 	snop;
	(pc) =	sbr.ind lr, $3  }
0x3a: {  	_ = 	snop  }
0x3b: {  	_ = 	snop  }
0x3c: {  	p2 =	seq.s32 s10, $0x1;
	s10 =	sld [smem:$0x3FB0]  }
0x3d: {  	_ =	shalt  }
0x3e: {  	_ =	shalt  }
0x3f: {  	_ =	shalt  }
0x40: {  	_ =	shalt  }
0x41: {  	_ =	shalt  }
0x42: {  	_ =	shalt  }
0x43: {  	_ =	shalt  }
0x44: {  	_ =	shalt  }
0x45: {  	_ =	shalt  }
0x46: {  	_ =	shalt  }
0x47: {  	_ =	shalt  }
0x48: {  	_ =	shalt  }
0x49: {  	_ =	shalt  }
0x4a: {  	_ =	shalt  }
0x4b: {  	_ =	shalt  }
0x4c: {  	_ =	shalt  }
0x4d: {  	_ =	shalt  }
0x4e: {  	_ =	shalt  }
0x4f: {  	_ =	shalt  }
0x50: {  	_ =	shalt  }
0x51: {  	_ =	shalt  }
0x52: {  	_ =	shalt  }
0x53: {  	_ =	shalt  }
0x54: {  	_ =	shalt  }
0x55: {  	_ =	shalt  }
0x56: {  	_ =	shalt  }
0x57: {  	_ =	shalt  }
0x58: {  	_ =	shalt  }
0x59: {  	_ =	shalt  }
0x5a: {  	_ =	shalt  }
0x5b: {  	_ =	shalt  }
0x5c: {  	_ =	shalt  }
0x5d: {  	_ =	shalt  }
0x5e: {  	_ =	shalt  }
0x5f: {  	_ =	shalt  }
0x60: {  	_ =	shalt  }
0x61: {  	_ =	shalt  }
0x62: {  	_ =	shalt  }
0x63: {  	_ =	shalt  }
0x64: {  	_ =	shalt  }
0x65: {  	_ =	shalt  }
0x66: {  	_ =	shalt  }
0x67: {  	_ =	shalt  }
0x68: {  	_ =	shalt  }
0x69: {  	_ =	shalt  }
0x6a: {  	_ =	shalt  }
0x6b: {  	_ =	shalt  }
0x6c: {  	_ =	shalt  }
0x6d: {  	_ =	shalt  }
0x6e: {  	_ =	shalt  }
0x6f: {  	_ =	shalt  }
0x70: {  	_ =	shalt  }
0x71: {  	_ =	shalt  }
0x72: {  	_ =	shalt  }
0x73: {  	_ =	shalt  }
0x74: {  	_ =	shalt  }
0x75: {  	_ =	shalt  }
0x76: {  	_ =	shalt  }
0x77: {  	_ =	shalt  }
0x78: {  	_ =	shalt  }
0x79: {  	_ =	shalt  }
0x7a: {  	_ =	shalt  }
0x7b: {  	_ =	shalt  }
0x7c: {  	_ =	shalt  }
0x7d: {  	_ =	shalt  }
0x7e: {  	_ =	shalt  }
0x7f: {  	_ =	shalt  }
0x80: {  	_ =	shalt  }
0x81: {  	_ =	shalt  }
0x82: {  	_ =	shalt  }
0x83: {  	_ =	shalt  }
0x84: {  	_ =	shalt  }
0x85: {  	_ =	shalt  }
0x86: {  	_ =	shalt  }
0x87: {  	_ =	shalt  }
.Lfunc_end0:
.L_simem_size_0:
called_computation_lowered:
.L_overlay_start_0:
0x88: {  	s2 =	sld [smem:$0x3FD9]  }
0x89: {  	s3 =	sld [smem:$0x3FFE];
	_ =	sdelay $0x1  }
0x8a: {  	s1 =	srdreg.scid  }
0x8b: {  	s0 =	sand.u32 $0x1, s1  }
0x8c: {  	s14 =	sshll.u32 s0, $0xA;
	s2 =	sadd.s32 s3, s2  }
0x8d: {  	s2 =	sadd.s32 s2, s14  }
0x8e: {  	[smem:$0x3FBC] =	sst s2  }
0x8f: {  	_ = 	snop  }
0x90: {  	s2 =	sld [smem:$0x3FD0];
	_ =	sdelay $0x2  }
0x91: {  	s15 =	simm.s32 $0xA;
	s4 =	simm.s32 $0x10  }
0x92: {  	[smem:s4], [sflag:s15] =	dma.local [hbm:s2], $0x1  }
0x93: {  	_ =	swait.eq [sflag:s15], $0x1  }
0x94: {  	s16 =	sld [smem:$0x10];
	[sflag:s15] =	ssyncset.done $0x0  }
0x95: {  	s17 =	sld [smem:$0x11];
	[sflag:s15] =	ssyncadd.s32 $0xFFFFFFFF  }
0x96: {  	s18 =	sld [smem:$0x13];
	(tm) =	ssettm $0x1  }
0x97: {  	s5 =	sld [smem:$0x3FFB];
	_ =	sdelay $0x3  }
0x98: {  	_ =	strace s5  }
0x99: {  	s5 =	sld [smem:$0x3FFC];
	_ =	sdelay $0x3  }
0x9a: {  	_ =	strace s5  }
0x9b: {  	s5 =	sld [smem:$0x3FFD];
	_ =	sdelay $0x3  }
0x9c: {  	_ =	strace s5  }
0x9d: {  	_ =	strace $0x8FFFFFFF  }
0x9e: {  	s19 =	sld [smem:$0x3FDB];
	_ =	sdelay $0x1  }
0x9f: {  	s6 =	simm.s32 $_scs_section_size  }
0xa0: {  	s7 =	simm.s32 $_size__tile_overlayer_lowered;
	s8 =	simm.s32 $_tile_overlayer_lowered  }
0xa1: {  	s22 =	simm.s32 $0x1BFF;
	s21 =	sshll.u32 s8, $0x1;
	s5 =	sadd.s32 s6, s19  }
0xa2: {  	s9 =	simm.s32 $0x0;
	s20 =	sshll.u32 s7, $0x1;
	s7 =	sadd.s32 s21, s5  }
0xa3: {  	[timem:s9], [sflag:s22] =	dma.local [hbm:s7], s20  }
0xa4: {  	_ =	swait.ge [sflag:s22], s20  }
0xa5: {  	s6 =	ssub.s32 $0x0, s20;
	[sflag:s22] =	ssyncset.done $0x0  }
0xa6: {  	[sflag:s22] =	ssyncadd.s32 s6;
	_ =	sdelay $0x1  }
0xa7: {  	s23 =	simm.s32 $0x1B8B  }
0xa8: {  	_ =	swait.ge [sflag:s23], $0x1  }
0xa9: {  	[sflag:s23] =	ssyncset.done $0x0  }
0xaa: {  	s25 =	simm.s32 $0x1B8E;
	s24 =	sld [smem:$0x3FFE];
	[sflag:s23] =	ssyncadd.s32 $0xFFFFFFFF  }
0xab: {  	s26 =	simm.s32 $execute0_lowered;
	[smem:$0x3FD2] =	sst s25  }
0xac: {  	s7 =	sshll.u32 s26, $0x1;
	_ =	strace $0x80000046;
	[dreg:$0x1] =	wrdreg $0xFFFFFFFF  }
0xad: {  	s28 =	simm.s32 $_size_execute0_lowered;
	s5 =	sadd.s32 s5, s7;
	[dreg:$0x0] =	wrdreg $0x0  }
0xae: {  	s7 =	sshll.u32 s28, $0x1;
	[dreg:$0x2] =	wrdreg s5  }
0xaf: {  	[dreg:$0x3] =	wrdreg s7  }
0xb0: {  	[dreg:$0x4] =	wrdreg $0xC0  }
0xb1: {  	_ =	task [dreg:s9], $0x5FFFF  }
0xb2: {  	[dreg:$0x1] =	wrdreg $0xFFFFFFFF  }
0xb3: {  	[dreg:$0x0] =	wrdreg $0x60  }
0xb4: {  	[dreg:$0x2] =	wrdreg s18  }
0xb5: {  	[dreg:$0x3] =	wrdreg s24  }
0xb6: {  	[dreg:$0x4] =	wrdreg s17  }
0xb7: {  	[dreg:$0x5] =	wrdreg s16  }
0xb8: {  	[dreg:$0x6] =	wrdreg $0x54000  }
0xb9: {  	[dreg:$0x7] =	wrdreg $0x9  }
0xba: {  	_ =	task.clear_ibuf [dreg:s9], $0x8FFFF;
	_ =	strace $0x90000046  }
0xbb: {  	s29 =	simm.s32 $0x9;
	_ =	strace $0x80000048  }
0xbc: {  	_ =	swait.ge [sflag:s29], $0x1  }
0xbd: {  	[sflag:s29] =	ssyncadd.s32 $0xFFFFFFFF  }
0xbe: {  	_ =	strace $0x90000048  }
0xbf: {  	_ =	sfence  }
0xc0: {  	s30 =	sld [smem:$0x0];
	_ =	sdelay $0x2  }
0xc1: {  	s31 =	sshll.u32 s1, $0xD;
	s1 =	sshrl.u32 s1, $0x2  }
0xc2: {  	s3 =	sand.u32 $0x4000, s31;
	s1 =	sadd.s32 s1, s30  }
0xc3: {  	s0 =	sor.u32 s3, s0;
	s1 =	sshll.u32 s1, $0x11  }
0xc4: {  	s0 =	sor.u32 s1, s0  }
0xc5: {  	s0 =	sadd.s32 $0x8F2B, s0  }
0xc6: {  	[sflag:s0] =	ssyncadd.remote.s32 $0x1  }
0xc7: {  	_ =	sfence.sel $0xFFFF  }
0xc8: {  	[dreg:$0x0] =	wrdreg $0xFFFFFFFF;
	(pc) =	sbr.abs _section_cstart, $3  }
0xc9: {  	[dreg:$0x1] =	wrdreg $0xFFFFFFFF  }
0xca: {  	_ =	task.clear_ibuf [dreg:s9], $0x2FFFF;
	_ =	strace $0x9FFFFFFF  }
0xcb: {  	(tm) =	ssettm $0x7FFFFFFF  }
tec
execute0_lowered:
.L_overlay_start_1:
0x0: {  	(tag) =	ssettag $0x1  }
0x1: {  	s7 =	rddreg [dreg:$0x0]  }
0x2: {  	s5 =	rddreg [dreg:$0x1]  }
0x3: {  	s1 =	rddreg [dreg:$0x2]  }
0x4: {  	s8 =	rddreg [dreg:$0x3]  }
0x5: {  	s3 =	rddreg [dreg:$0x4]  }
0x6: {  	s0 =	rddreg [dreg:$0x5]  }
0x7: {  	s4 =	simm.s32 $0x0;
	s6 =	srdreg.scid;
	s2 =	stileid.u32  }
0x8: {  	s14 =	simm.s32 $0x0;
	[smem:$0x7FF] =	sst s4;
	s9 =	smul.u32 $0x50000, s2  }
0x9: {  	s6 =	sand.u32 $0x1, s6;
	s13 =	smul.u32 $0x14000, s2;
	s5 =	sadd.s32 $0x3000, s5  }
0xa: {  	s31 =	sshll.u32 s2, $0x6;
	_ =	strace $0x80000047;
	s10 =	ssub.s32 $0x2, s6  }
0xb: {  	s11 =	smul.u32 $0x140000, s6;
	s6 =	sshll.u32 s6, $0x4;
	s12 =	sshrl.u32 s10, $0x1  }
0xc: {  	s6 =	sor.u32 s2, s6;
	s9 =	sshrl.u32 s9, $0x2;
	s10 =	ssub.s32 s10, s12  }
0xd: {  	s28 =	smul.u32 $0x280, s6;
	s29 =	sadd.s32 s13, s11;
	s30 =	sadd.s32 s9, s3  }
0xe: {  	s6 =	sor.u32 $0x1C01, s31;
	s11 =	simm.s32 $0x1;
	s12 =	simm.s32 $0x1400  }
0xf: {  	s13 =	sshrl.u32 s29, $0x3;
	s9 =	smax.u32 s10, $0x1;
	s10 =	sshrl.u32 s30, $0x3  }
0x10: {  	s7 =	sadd.s32 s7, s28;
	s8 =	sadd.s32 s8, s13;
	s13 =	simm.s32 $0x80  }
.LBB2_1:
0x11: {  	[spmem:s10], [sflag:s6] =	dma.local [hbm:s5], $0x2800  }
0x12: {  	_ =	swait.ge [sflag:s11], $0x2800  }
0x13: {  	[sflag:s11] =	ssyncset.done $0x0  }
0x14: {  	[sflag:s11] =	ssyncadd.s32 $0xFFFFD800  }
0x15: {  	[tilespmem:s12], [sflag:$0x1] =	stream.linear.gather [hbm4b:s1+s4], $0x4000, $0x38;
	[tilespmem:$0x19400] =	vst v63  }
0x16: {  	_ =	swait.ge [sflag:s11], $0x4000  }
0x17: {  	[sflag:s11] =	ssyncset.done $0x0  }
0x18: {  	[sflag:s11] =	ssyncadd.s32 $0xFFFFC000  }
0x19: {  	[tilespmem:s4], [sflag:$0x1] =	stream.linear.gather [hbm4b:s7+s4], $0x1400, $0x38;
	[tilespmem:$0x19400] =	vst v63  }
0x1a: {  	_ =	swait.ge [sflag:s11], $0x1400  }
0x1b: {  	[sflag:s11] =	ssyncset.done $0x0  }
0x1c: {  	[sflag:s11] =	ssyncadd.s32 $0xFFFFEC00  }
0x1d: {  	s15 =	simm.s32 $0x0;
	[bflag:$0x0] =	sbarrier.arrive $0xFFFF  }
0x1e: {  	[spmem:s3] =	stream.indirect.scatter.add.f32 [tilespmem:s12], [sflag:$0x1], $0x80, s15, s13, $0xb8;
	[tilespmem:$0x19400] =	vst v63  }
0x1f: {  	_ =	swait.ge [sflag:s11], $0x4000  }
0x20: {  	s15 =	simm.s32 $0x200;
	[sflag:s11] =	ssyncset.done $0x0  }
.LBB2_2:
0x21: {  	s16 =	sshra.s32 s15, $0x2;
	[sflag:s11] =	ssyncadd.s32 $0xFFFFC000;
	p0 =	sne.s32 s15, $0x4E00  }
0x22: {  	[spmem:s3] =	stream.indirect.scatter.add.f32 [tilespmem:s12], [sflag:$0x1], $0x80, s16, s13, $0xb8;
	[tilespmem:$0x19400] =	vst v63  }
.Ltmp0:
0x23: {  	_ = 	snop;
	(pc) =	sbr.rel @p0 .LBB2_2-.Ltmp0, $4  }
0x24: {  	_ = 	snop  }
0x25: {  	s15 =	sadd.s32 $0x200, s15  }
0x26: {  	_ =	swait.ge [sflag:s11], $0x4000  }
0x27: {  	[sflag:s11] =	ssyncset.done $0x0  }
0x28: {  	s14 =	sadd.s32 $0x1, s14  }
0x29: {  	[sflag:s11] =	ssyncadd.s32 $0xFFFFC000;
	p0 =	sne.s32 s14, s9  }
.Ltmp1:
0x2a: {  	[bflag:$0x0] =	sbarrier.arrive $0xFFFF;
	(pc) =	sbr.rel @p0 .LBB2_1-.Ltmp1, $4  }
0x2b: {  	[hbm:s8], [sflag:s6] =	dma.local [spmem:s10], $0x2800  }
0x2c: {  	_ =	swait.ge [sflag:s11], $0x2800  }
0x2d: {  	[sflag:s11] =	ssyncset.done $0x0  }
0x2e: {  	[sflag:s11] =	ssyncadd.s32 $0xFFFFD800  }
0x2f: {  	_ =	sfence.sel $0x180000  }
0x30: {  	[bflag:$0x0] =	sbarrier.arrive $0xFFFF  }
0x31: {  	p0 =	sne.s32 s2, $0x0;
	_ =	strace $0x90000047  }
0x32: {  	s0 =	sadd.s32 @!p0 $0x100000, s0;
	[bflag:$0x2] =	sbarrier.arrive $0xFFFF  }
0x33: {  	[sflag:s0] =	ssyncadd.tile.s32 @!p0 $0x1;
	_ =	shalt  }
.Lfunc_end2:
_tile_overlayer_lowered:
.L_overlay_start_2:
0x34: {  	(tag) =	ssettag $0x2  }
0x35: {  	s0 =	rddreg [dreg:$0x0];
	s2 =	stileid.u32  }
0x36: {  	s1 =	rddreg [dreg:$0x1];
	p0 =	sne.s32 s2, $0x0  }
0x37: {  	s3 =	rddreg [dreg:$0x2];
	[bflag:$0x3] =	sbarrier.arrive $0xFFFF;
	s2 =	simm.s32 @!p0 $0x1C01  }
0x38: {  	[timem:s3], [sflag:s2] =	dma.local @!p0 [hbm:s0], s1  }
0x39: {  	s0 =	simm.s32 @!p0 $0x1  }
0x3a: {  	_ =	swait.ge @!p0 [sflag:s0], s1  }
0x3b: {  	s1 =	ssub.s32 @!p0 $0x0, s1;
	[sflag:s0] =	ssyncset.done @!p0 $0x0  }
0x3c: {  	[sflag:s0] =	ssyncadd.s32 @!p0 s1  }
0x3d: {  	[bflag:$0x3] =	sbarrier.arrive $0xFFFF  }
0x3e: {  	_ =	shalt  }

</sc_bundles>
